<compile_context>
chip_gen: v7x
topology: tpu7x:2x2x1
jax: 0.10.2.dev20260603
libtpu: 0.0.44.dev20260713+nightly
codegen_flags: <defaults>
</compile_context>

<pallas_src>
import functools

import jax
import jax.numpy as jnp
from jax import lax
from jax.experimental import pallas as pl
from jax.experimental.pallas import tpu as pltpu
from jax.experimental.pallas import tpu_sc as plsc
import numpy as np

N = 33554432
BINS = 2048
Q_MIN, Q_MAX = 0, 255
EPS = float(np.finfo(np.float32).eps)

XR, XC = 4096, 8192
BM = 256
GRID = XR // BM

NC, NS, L = 2, 16, 16
NW = NC * NS
PER_TILE = N // NW
CHUNK = 8192
NCHUNK = PER_TILE // CHUNK
PADB = 2065
UNROLL = 4


def _minmax_body(x_ref, min_ref, max_ref):
    i = pl.program_id(0)
    m = jnp.min(x_ref[...])
    mx = jnp.max(x_ref[...])

    @pl.when(i == 0)
    def _():
        min_ref[0, 0] = m
        max_ref[0, 0] = mx

    @pl.when(i != 0)
    def _():
        min_ref[0, 0] = jnp.minimum(min_ref[0, 0], m)
        max_ref[0, 0] = jnp.maximum(max_ref[0, 0], mx)


def _minmax(x2d):
    return pl.pallas_call(
        _minmax_body,
        grid=(GRID,),
        in_specs=[pl.BlockSpec((BM, XC), lambda i: (i, 0))],
        out_specs=[
            pl.BlockSpec((1, 1), lambda i: (0, 0), memory_space=pltpu.SMEM),
            pl.BlockSpec((1, 1), lambda i: (0, 0), memory_space=pltpu.SMEM),
        ],
        out_shape=[
            jax.ShapeDtypeStruct((1, 1), jnp.float32),
            jax.ShapeDtypeStruct((1, 1), jnp.float32),
        ],
    )(x2d)


def _hist_body(x_hbm, par_hbm, out_hbm, buf_a, buf_b, pvm, lh, hloc,
               sem_a, sem_b):
    wid = lax.axis_index("c") * NS + lax.axis_index("s")
    base = wid * PER_TILE

    pltpu.sync_copy(par_hbm, pvm)
    mn = pvm[pl.ds(0, L)]
    inv = pvm[pl.ds(L, L)]
    laneoff = lax.iota(jnp.int32, L) * PADB
    ones = jnp.full((L,), 1.0, jnp.float32)
    cap = jnp.full((L,), BINS - 1, jnp.int32)

    def zero_body(k, _):
        lh[pl.ds(k * L, L)] = jnp.zeros((L,), jnp.float32)
        return 0

    lax.fori_loop(0, (L * PADB) // L, zero_body, 0)

    def start(chunk, buf, sem):
        pltpu.make_async_copy(
            x_hbm.at[pl.ds(base + chunk * CHUNK, CHUNK)], buf, sem
        ).start()

    def wait(buf, sem):
        pltpu.make_async_copy(
            x_hbm.at[pl.ds(0, CHUNK)], buf, sem
        ).wait()

    def process(buf):
        def inner(j, _):
            for u in range(UNROLL):
                v = buf[pl.ds((j * UNROLL + u) * L, L)]
                t = (v - mn) * inv
                ix = jnp.minimum(t.astype(jnp.int32), cap) + laneoff
                plsc.addupdate_scatter(lh, [ix], ones)
            return 0

        lax.fori_loop(0, CHUNK // (L * UNROLL), inner, 0)

    start(0, buf_a, sem_a)
    start(1, buf_b, sem_b)

    def outer(i, _):
        c = i * 2
        wait(buf_a, sem_a)
        process(buf_a)
        start(c + 2, buf_a, sem_a)
        wait(buf_b, sem_b)
        process(buf_b)
        start(c + 3, buf_b, sem_b)
        return 0

    lax.fori_loop(0, NCHUNK // 2 - 1, outer, 0)
    wait(buf_a, sem_a)
    process(buf_a)
    wait(buf_b, sem_b)
    process(buf_b)

    def fold(stride):
        def body(v, _):
            o = v * L
            for l in range(0, 16, 2 * stride):
                if l + stride < 16:
                    a = lh[pl.ds(l * PADB + o, L)]
                    b = lh[pl.ds((l + stride) * PADB + o, L)]
                    lh[pl.ds(l * PADB + o, L)] = a + b
            return 0

        lax.fori_loop(0, BINS // L, body, 0)

    for stride in (1, 2, 4, 8):
        fold(stride)

    ovl_idx = lax.iota(jnp.int32, L) * PADB + BINS
    ovl = plsc.load_gather(lh, [ovl_idx])
    last = lh[pl.ds(BINS - L, L)]
    ovl_sum = jnp.sum(ovl)
    bump = jnp.where(lax.iota(jnp.int32, L) == L - 1, ovl_sum, 0.0)
    lh[pl.ds(BINS - L, L)] = last + bump

    def copy_out(v, _):
        hloc[pl.ds(v * L, L)] = lh[pl.ds(v * L, L)]
        return 0

    lax.fori_loop(0, BINS // L, copy_out, 0)
    pltpu.sync_copy(hloc, out_hbm.at[pl.ds(wid * BINS, BINS)])


def _hist_parts(x, par):
    mesh = plsc.VectorSubcoreMesh(core_axis_name="c", subcore_axis_name="s")
    f = pl.kernel(
        _hist_body,
        out_type=jax.ShapeDtypeStruct((NW * BINS,), jnp.float32),
        mesh=mesh,
        compiler_params=pltpu.CompilerParams(needs_layout_passes=False),
        scratch_types=[
            pltpu.VMEM((CHUNK,), jnp.float32),
            pltpu.VMEM((CHUNK,), jnp.float32),
            pltpu.VMEM((2 * L,), jnp.float32),
            pltpu.VMEM((L * PADB,), jnp.float32),
            pltpu.VMEM((BINS,), jnp.float32),
            pltpu.SemaphoreType.DMA,
            pltpu.SemaphoreType.DMA,
        ],
    )
    return f(x, par)


def _fq_body(s_ref, x_ref, o_ref):
    scale = s_ref[0]
    inv_scale = s_ref[1]
    zp = s_ref[2]
    x = x_ref[...]
    q = jnp.clip(jnp.round(x * inv_scale) + zp, float(Q_MIN), float(Q_MAX))
    o_ref[...] = (q - zp) * scale


def _fakequant(x2d, svec):
    return pl.pallas_call(
        _fq_body,
        grid=(GRID,),
        in_specs=[
            pl.BlockSpec(memory_space=pltpu.SMEM),
            pl.BlockSpec((BM, XC), lambda i: (i, 0)),
        ],
        out_specs=pl.BlockSpec((BM, XC), lambda i: (i, 0)),
        out_shape=jax.ShapeDtypeStruct((XR, XC), jnp.float32),
    )(svec, x2d)


def _merge_body(p_ref, h_ref):
    h_ref[...] = jnp.sum(p_ref[...], axis=0)


def _merge(parts):
    return pl.pallas_call(
        _merge_body,
        out_shape=jax.ShapeDtypeStruct((BINS,), jnp.float32),
    )(parts)


def kernel(x):
    x2d = x.reshape(XR, XC)
    mn_a, mx_a = _minmax(x2d)
    min_val = mn_a[0, 0]
    max_val = mx_a[0, 0]

    bin_width = (max_val - min_val) / BINS
    safe_w = jnp.maximum(bin_width, EPS)
    inv_w = 1.0 / safe_w

    min_val_neg = jnp.minimum(min_val, 0.0)
    max_val_pos = jnp.maximum(max_val, 0.0)
    scale = jnp.maximum((max_val_pos - min_val_neg) / float(Q_MAX - Q_MIN), EPS)
    zero_point = jnp.clip(
        Q_MIN - jnp.round(min_val_neg / scale), Q_MIN, Q_MAX
    )

    par = jnp.concatenate(
        [jnp.full((L,), min_val), jnp.full((L,), inv_w)]
    ).astype(jnp.float32)
    parts = _hist_parts(x, par)

    svec = jnp.stack([scale, 1.0 / scale, zero_point]).astype(jnp.float32)
    out = _fakequant(x2d, svec).reshape(N)

    histogram = _merge(parts.reshape(NW, BINS))
    return out, histogram, scale, zero_point.astype(jnp.int32)

# --- scband reference (transcript-rebuilt; emitter-appended) ---
"""Pipeline reference for scband-histogram-observer-17987323036277 (READ-ONLY COPY).

The authoritative reference and input builder live on the scoring server;
editing this copy changes nothing except your own understanding.
"""

import jax, jax.numpy as jnp
import numpy as np

BINS = 2048
Q_MIN, Q_MAX = 0, 255  # quint8, per_tensor_affine
EPS = float(np.finfo(np.float32).eps)


def setup_inputs(seed: int = 0) -> dict:
    key = jax.random.key(seed)
    x = jax.random.normal(key, (33554432,), dtype=jnp.float32)
    return {"x": x}


def reference(x):
    # observe: running min/max over observed tensor
    min_val = jnp.min(x)
    max_val = jnp.max(x)

    # histogram accumulation over [min_val, max_val] with BINS bins
    bin_width = (max_val - min_val) / BINS
    safe_w = jnp.maximum(bin_width, EPS)
    idx = jnp.clip(jnp.floor((x - min_val) / safe_w).astype(jnp.int32), 0, BINS - 1)
    histogram = jnp.zeros((BINS,), dtype=jnp.float32).at[idx].add(1.0)

    # _calculate_qparams for per_tensor_affine quint8
    min_val_neg = jnp.minimum(min_val, 0.0)
    max_val_pos = jnp.maximum(max_val, 0.0)
    scale = (max_val_pos - min_val_neg) / float(Q_MAX - Q_MIN)
    scale = jnp.maximum(scale, EPS)
    zero_point = Q_MIN - jnp.round(min_val_neg / scale)
    zero_point = jnp.clip(zero_point, Q_MIN, Q_MAX)

    # fake quantize: quantize -> clamp -> dequantize
    q = jnp.clip(jnp.round(x / scale) + zero_point, Q_MIN, Q_MAX)
    out = (q - zero_point) * scale
    return out, histogram, scale, zero_point.astype(jnp.int32)

if __name__ == "__main__":
    import jax
    _d = setup_inputs()
    print(jax.jit(kernel)(*tuple(_d.values())))

</pallas_src>

<mosaic_0001>
#map = affine_map<(d0, d1) -> (0)>
module attributes {stable_mosaic.version = 14 : i64} {
  func.func @_hist_body(%arg0: i32, %arg1: i32, %arg2: memref<33554432xf32, #tpu.memory_space<hbm>>, %arg3: memref<32xf32, #tpu.memory_space<hbm>>, %arg4: memref<65536xf32, #tpu.memory_space<hbm>>, %arg5: memref<8192xf32, #tpu.memory_space<vmem>>, %arg6: memref<8192xf32, #tpu.memory_space<vmem>>, %arg7: memref<32xf32, #tpu.memory_space<vmem>>, %arg8: memref<33040xf32, #tpu.memory_space<vmem>>, %arg9: memref<2048xf32, #tpu.memory_space<vmem>>, %arg10: memref<!tpu.dma_semaphore, #tpu.memory_space<semaphore_mem>>, %arg11: memref<!tpu.dma_semaphore, #tpu.memory_space<semaphore_mem>>) attributes {dimension_semantics = [#tpu.dimension_semantics<core_parallel>, #tpu.dimension_semantics<subcore_parallel>], iteration_bounds = array<i64: 2, 16>, scalar_prefetch = 0 : i64, scratch_operands = 7 : i64, tpu.core_type = #tpu.core_type<sc_vector_subcore>, window_params = [{transform_indices = #map}, {transform_indices = #map}, {transform_indices = #map}]} {
    %mul3A = arith.constant 16 : i32
    %mul3A_0 = arith.muli %arg0, %mul3A : i32
    %add3A = arith.addi %mul3A_0, %arg1 : i32
    %mul3A_1 = arith.constant 1048576 : i32
    %mul3A_2 = arith.muli %add3A, %mul3A_1 : i32
    "tpu.region"() ({
      %run_scoped3A = tpu.sem_alloc : memref<!tpu.dma_semaphore, #tpu.memory_space<semaphore_mem>>
      tpu.enqueue_dma source(%arg3 : memref<32xf32, #tpu.memory_space<hbm>>) target(%arg7 : memref<32xf32, #tpu.memory_space<vmem>>) target_semaphore(%run_scoped3A : memref<!tpu.dma_semaphore, #tpu.memory_space<semaphore_mem>>)
      tpu.wait_dma2 semaphore(%run_scoped3A : memref<!tpu.dma_semaphore, #tpu.memory_space<semaphore_mem>>) src(%arg3 : memref<32xf32, #tpu.memory_space<hbm>>) dst(%arg7 : memref<32xf32, #tpu.memory_space<vmem>>)
      tpu.yield
    }) : () -> ()
    %get3A = arith.constant 0 : index
    %get3A_3 = tpu.vector_load %arg7[%get3A] {strides = array<i32>} : memref<32xf32, #tpu.memory_space<vmem>>, vector<16xf32>,
    %get3A_4 = arith.constant 16 : index
    %get3A_5 = tpu.vector_load %arg7[%get3A_4] {strides = array<i32>} : memref<32xf32, #tpu.memory_space<vmem>>, vector<16xf32>,
    %iota3A = tpu.iota {dimensions = array<i32: 0>} : vector<16xi32>
    %mul3A_6 = arith.constant 2065 : i32
    %mul3A_7 = vector.broadcast %mul3A_6 : i32 to vector<16xi32>
    %mul3A_8 = arith.muli %iota3A, %mul3A_7 : vector<16xi32>
    %broadcast_in_dim3A = arith.constant 1.000000e+00 : f32
    %broadcast_in_dim3A_9 = vector.broadcast %broadcast_in_dim3A : f32 to vector<16xf32>
    %broadcast_in_dim3A_10 = arith.constant 2047 : i32
    %broadcast_in_dim3A_11 = vector.broadcast %broadcast_in_dim3A_10 : i32 to vector<16xi32>
    %scan3A = arith.constant 0 : i32
    %scan3A_12 = arith.constant 0 : i32
    %scan3A_13 = arith.constant 2065 : i32
    %scan3A_14 = arith.addi %scan3A_12, %scan3A_13 : i32
    %scan3A_15 = arith.constant 1 : i32
    %scan3A_16 = scf.for %scan3A_109 = %scan3A_12 to %scan3A_14 step %scan3A_15 iter_args(%scan3A_110 = %scan3A) -> (i32)  : i32 {
      %broadcast_in_dim3A_111 = arith.constant 0.000000e+00 : f32
      %broadcast_in_dim3A_112 = vector.broadcast %broadcast_in_dim3A_111 : f32 to vector<16xf32>
      %mul3A_113 = arith.constant 16 : i32
      %mul3A_114 = arith.muli %scan3A_109, %mul3A_113 : i32
      %swap3A_115 = arith.index_cast %mul3A_114 : i32 to index
      %swap3A_116 = tpu.vector_load %arg8[%swap3A_115] {strides = array<i32>} : memref<33040xf32, #tpu.memory_space<vmem>>, vector<16xf32>,
      tpu.vector_store %arg8[%swap3A_115], %broadcast_in_dim3A_112 {strides = array<i32>} : memref<33040xf32, #tpu.memory_space<vmem>>, vector<16xf32>,
      %scan3A_117 = arith.constant 0 : i32
      scf.yield %scan3A_117 : i32
    }
    %scan3A_17 = arith.constant 2065 : i32
    %add3A_18 = arith.constant 0 : i32
    %add3A_19 = arith.addi %mul3A_2, %add3A_18 : i32
    %dma_start3A = tpu.memref_slice %arg2[%add3A_19] : memref<33554432xf32, #tpu.memory_space<hbm>> -> memref<8192xf32, #tpu.memory_space<hbm>>
    %dma_start3A_20 = tpu.memref_slice %arg2[%add3A_19] : memref<33554432xf32, #tpu.memory_space<hbm>> -> memref<8192xf32, #tpu.memory_space<hbm>>
    tpu.enqueue_dma source(%dma_start3A_20 : memref<8192xf32, #tpu.memory_space<hbm>>) target(%arg5 : memref<8192xf32, #tpu.memory_space<vmem>>) target_semaphore(%arg10 : memref<!tpu.dma_semaphore, #tpu.memory_space<semaphore_mem>>)
    %add3A_21 = arith.constant 8192 : i32
    %add3A_22 = arith.addi %mul3A_2, %add3A_21 : i32
    %dma_start3A_23 = tpu.memref_slice %arg2[%add3A_22] : memref<33554432xf32, #tpu.memory_space<hbm>> -> memref<8192xf32, #tpu.memory_space<hbm>>
    %dma_start3A_24 = tpu.memref_slice %arg2[%add3A_22] : memref<33554432xf32, #tpu.memory_space<hbm>> -> memref<8192xf32, #tpu.memory_space<hbm>>
    tpu.enqueue_dma source(%dma_start3A_24 : memref<8192xf32, #tpu.memory_space<hbm>>) target(%arg6 : memref<8192xf32, #tpu.memory_space<vmem>>) target_semaphore(%arg11 : memref<!tpu.dma_semaphore, #tpu.memory_space<semaphore_mem>>)
    %scan3A_25 = arith.constant 0 : i32
    %scan3A_26 = arith.constant 0 : i32
    %scan3A_27 = arith.constant 63 : i32
    %scan3A_28 = arith.addi %scan3A_26, %scan3A_27 : i32
    %scan3A_29 = arith.constant 1 : i32
    %scan3A_30 = scf.for %scan3A_109 = %scan3A_26 to %scan3A_28 step %scan3A_29 iter_args(%scan3A_110 = %scan3A_25) -> (i32)  : i32 {
      %mul3A_111 = arith.constant 2 : i32
      %mul3A_112 = arith.muli %scan3A_109, %mul3A_111 : i32
      %dma_wait3A_113 = arith.constant 0 : i32
      %dma_wait3A_114 = tpu.memref_slice %arg2[%dma_wait3A_113] : memref<33554432xf32, #tpu.memory_space<hbm>> -> memref<8192xf32, #tpu.memory_space<hbm>>
      %dma_wait3A_115 = arith.constant 0 : i32
      %dma_wait3A_116 = tpu.memref_slice %arg2[%dma_wait3A_115] : memref<33554432xf32, #tpu.memory_space<hbm>> -> memref<8192xf32, #tpu.memory_space<hbm>>
      tpu.wait_dma2 semaphore(%arg10 : memref<!tpu.dma_semaphore, #tpu.memory_space<semaphore_mem>>) src(%dma_wait3A_116 : memref<8192xf32, #tpu.memory_space<hbm>>) dst(%arg5 : memref<8192xf32, #tpu.memory_space<vmem>>)
      %scan3A_117 = arith.constant 0 : i32
      %scan3A_118 = arith.constant 0 : i32
      %scan3A_119 = arith.constant 128 : i32
      %scan3A_120 = arith.addi %scan3A_118, %scan3A_119 : i32
      %scan3A_121 = arith.constant 1 : i32
      %scan3A_122 = scf.for %scan3A_150 = %scan3A_118 to %scan3A_120 step %scan3A_121 iter_args(%scan3A_151 = %scan3A_117) -> (i32)  : i32 {
        %mul3A_152 = arith.constant 4 : i32
        %mul3A_153 = arith.muli %scan3A_150, %mul3A_152 : i32
        %add3A_154 = arith.constant 0 : i32
        %add3A_155 = arith.addi %mul3A_153, %add3A_154 : i32
        %mul3A_156 = arith.constant 16 : i32
        %mul3A_157 = arith.muli %add3A_155, %mul3A_156 : i32
        %get3A_158 = arith.index_cast %mul3A_157 : i32 to index
        %get3A_159 = tpu.vector_load %arg5[%get3A_158] {strides = array<i32>} : memref<8192xf32, #tpu.memory_space<vmem>>, vector<16xf32>,
        %sub3A = arith.subf %get3A_159, %get3A_3 : vector<16xf32>
        %mul3A_160 = arith.mulf %sub3A, %get3A_5 : vector<16xf32>
        %convert_element_type3A = arith.fptosi %mul3A_160 : vector<16xf32> to vector<16xi32>
        %min3A = arith.minsi %convert_element_type3A, %broadcast_in_dim3A_11 : vector<16xi32>
        %add3A_161 = arith.addi %min3A, %mul3A_8 : vector<16xi32>
        tpu.vector_store_idx %arg8[%add3A_161], %broadcast_in_dim3A_9 {add = true} : memref<33040xf32, #tpu.memory_space<vmem>>[vector<16xi32>], vector<16xf32>,
        %mul3A_162 = arith.constant 4 : i32
        %mul3A_163 = arith.muli %scan3A_150, %mul3A_162 : i32
        %add3A_164 = arith.constant 1 : i32
        %add3A_165 = arith.addi %mul3A_163, %add3A_164 : i32
        %mul3A_166 = arith.constant 16 : i32
        %mul3A_167 = arith.muli %add3A_165, %mul3A_166 : i32
        %get3A_168 = arith.index_cast %mul3A_167 : i32 to index
        %get3A_169 = tpu.vector_load %arg5[%get3A_168] {strides = array<i32>} : memref<8192xf32, #tpu.memory_space<vmem>>, vector<16xf32>,
        %sub3A_170 = arith.subf %get3A_169, %get3A_3 : vector<16xf32>
        %mul3A_171 = arith.mulf %sub3A_170, %get3A_5 : vector<16xf32>
        %convert_element_type3A_172 = arith.fptosi %mul3A_171 : vector<16xf32> to vector<16xi32>
        %min3A_173 = arith.minsi %convert_element_type3A_172, %broadcast_in_dim3A_11 : vector<16xi32>
        %add3A_174 = arith.addi %min3A_173, %mul3A_8 : vector<16xi32>
        tpu.vector_store_idx %arg8[%add3A_174], %broadcast_in_dim3A_9 {add = true} : memref<33040xf32, #tpu.memory_space<vmem>>[vector<16xi32>], vector<16xf32>,
        %mul3A_175 = arith.constant 4 : i32
        %mul3A_176 = arith.muli %scan3A_150, %mul3A_175 : i32
        %add3A_177 = arith.constant 2 : i32
        %add3A_178 = arith.addi %mul3A_176, %add3A_177 : i32
        %mul3A_179 = arith.constant 16 : i32
        %mul3A_180 = arith.muli %add3A_178, %mul3A_179 : i32
        %get3A_181 = arith.index_cast %mul3A_180 : i32 to index
        %get3A_182 = tpu.vector_load %arg5[%get3A_181] {strides = array<i32>} : memref<8192xf32, #tpu.memory_space<vmem>>, vector<16xf32>,
        %sub3A_183 = arith.subf %get3A_182, %get3A_3 : vector<16xf32>
        %mul3A_184 = arith.mulf %sub3A_183, %get3A_5 : vector<16xf32>
        %convert_element_type3A_185 = arith.fptosi %mul3A_184 : vector<16xf32> to vector<16xi32>
        %min3A_186 = arith.minsi %convert_element_type3A_185, %broadcast_in_dim3A_11 : vector<16xi32>
        %add3A_187 = arith.addi %min3A_186, %mul3A_8 : vector<16xi32>
        tpu.vector_store_idx %arg8[%add3A_187], %broadcast_in_dim3A_9 {add = true} : memref<33040xf32, #tpu.memory_space<vmem>>[vector<16xi32>], vector<16xf32>,
        %mul3A_188 = arith.constant 4 : i32
        %mul3A_189 = arith.muli %scan3A_150, %mul3A_188 : i32
        %add3A_190 = arith.constant 3 : i32
        %add3A_191 = arith.addi %mul3A_189, %add3A_190 : i32
        %mul3A_192 = arith.constant 16 : i32
        %mul3A_193 = arith.muli %add3A_191, %mul3A_192 : i32
        %get3A_194 = arith.index_cast %mul3A_193 : i32 to index
        %get3A_195 = tpu.vector_load %arg5[%get3A_194] {strides = array<i32>} : memref<8192xf32, #tpu.memory_space<vmem>>, vector<16xf32>,
        %sub3A_196 = arith.subf %get3A_195, %get3A_3 : vector<16xf32>
        %mul3A_197 = arith.mulf %sub3A_196, %get3A_5 : vector<16xf32>
        %convert_element_type3A_198 = arith.fptosi %mul3A_197 : vector<16xf32> to vector<16xi32>
        %min3A_199 = arith.minsi %convert_element_type3A_198, %broadcast_in_dim3A_11 : vector<16xi32>
        %add3A_200 = arith.addi %min3A_199, %mul3A_8 : vector<16xi32>
        tpu.vector_store_idx %arg8[%add3A_200], %broadcast_in_dim3A_9 {add = true} : memref<33040xf32, #tpu.memory_space<vmem>>[vector<16xi32>], vector<16xf32>,
        %scan3A_201 = arith.constant 0 : i32
        scf.yield %scan3A_201 : i32
      }
      %scan3A_123 = arith.constant 128 : i32
      %add3A_124 = arith.constant 2 : i32
      %add3A_125 = arith.addi %mul3A_112, %add3A_124 : i32
      %mul3A_126 = arith.constant 8192 : i32
      %mul3A_127 = arith.muli %add3A_125, %mul3A_126 : i32
      %add3A_128 = arith.addi %mul3A_2, %mul3A_127 : i32
      %dma_start3A_129 = tpu.memref_slice %arg2[%add3A_128] : memref<33554432xf32, #tpu.memory_space<hbm>> -> memref<8192xf32, #tpu.memory_space<hbm>>
      %dma_start3A_130 = tpu.memref_slice %arg2[%add3A_128] : memref<33554432xf32, #tpu.memory_space<hbm>> -> memref<8192xf32, #tpu.memory_space<hbm>>
      tpu.enqueue_dma source(%dma_start3A_130 : memref<8192xf32, #tpu.memory_space<hbm>>) target(%arg5 : memref<8192xf32, #tpu.memory_space<vmem>>) target_semaphore(%arg10 : memref<!tpu.dma_semaphore, #tpu.memory_space<semaphore_mem>>)
      %dma_wait3A_131 = arith.constant 0 : i32
      %dma_wait3A_132 = tpu.memref_slice %arg2[%dma_wait3A_131] : memref<33554432xf32, #tpu.memory_space<hbm>> -> memref<8192xf32, #tpu.memory_space<hbm>>
      %dma_wait3A_133 = arith.constant 0 : i32
      %dma_wait3A_134 = tpu.memref_slice %arg2[%dma_wait3A_133] : memref<33554432xf32, #tpu.memory_space<hbm>> -> memref<8192xf32, #tpu.memory_space<hbm>>
      tpu.wait_dma2 semaphore(%arg11 : memref<!tpu.dma_semaphore, #tpu.memory_space<semaphore_mem>>) src(%dma_wait3A_134 : memref<8192xf32, #tpu.memory_space<hbm>>) dst(%arg6 : memref<8192xf32, #tpu.memory_space<vmem>>)
      %scan3A_135 = arith.constant 0 : i32
      %scan3A_136 = arith.constant 0 : i32
      %scan3A_137 = arith.constant 128 : i32
      %scan3A_138 = arith.addi %scan3A_136, %scan3A_137 : i32
      %scan3A_139 = arith.constant 1 : i32
      %scan3A_140 = scf.for %scan3A_150 = %scan3A_136 to %scan3A_138 step %scan3A_139 iter_args(%scan3A_151 = %scan3A_135) -> (i32)  : i32 {
        %mul3A_152 = arith.constant 4 : i32
        %mul3A_153 = arith.muli %scan3A_150, %mul3A_152 : i32
        %add3A_154 = arith.constant 0 : i32
        %add3A_155 = arith.addi %mul3A_153, %add3A_154 : i32
        %mul3A_156 = arith.constant 16 : i32
        %mul3A_157 = arith.muli %add3A_155, %mul3A_156 : i32
        %get3A_158 = arith.index_cast %mul3A_157 : i32 to index
        %get3A_159 = tpu.vector_load %arg6[%get3A_158] {strides = array<i32>} : memref<8192xf32, #tpu.memory_space<vmem>>, vector<16xf32>,
        %sub3A = arith.subf %get3A_159, %get3A_3 : vector<16xf32>
        %mul3A_160 = arith.mulf %sub3A, %get3A_5 : vector<16xf32>
        %convert_element_type3A = arith.fptosi %mul3A_160 : vector<16xf32> to vector<16xi32>
        %min3A = arith.minsi %convert_element_type3A, %broadcast_in_dim3A_11 : vector<16xi32>
        %add3A_161 = arith.addi %min3A, %mul3A_8 : vector<16xi32>
        tpu.vector_store_idx %arg8[%add3A_161], %broadcast_in_dim3A_9 {add = true} : memref<33040xf32, #tpu.memory_space<vmem>>[vector<16xi32>], vector<16xf32>,
        %mul3A_162 = arith.constant 4 : i32
        %mul3A_163 = arith.muli %scan3A_150, %mul3A_162 : i32
        %add3A_164 = arith.constant 1 : i32
        %add3A_165 = arith.addi %mul3A_163, %add3A_164 : i32
        %mul3A_166 = arith.constant 16 : i32
        %mul3A_167 = arith.muli %add3A_165, %mul3A_166 : i32
        %get3A_168 = arith.index_cast %mul3A_167 : i32 to index
        %get3A_169 = tpu.vector_load %arg6[%get3A_168] {strides = array<i32>} : memref<8192xf32, #tpu.memory_space<vmem>>, vector<16xf32>,
        %sub3A_170 = arith.subf %get3A_169, %get3A_3 : vector<16xf32>
        %mul3A_171 = arith.mulf %sub3A_170, %get3A_5 : vector<16xf32>
        %convert_element_type3A_172 = arith.fptosi %mul3A_171 : vector<16xf32> to vector<16xi32>
        %min3A_173 = arith.minsi %convert_element_type3A_172, %broadcast_in_dim3A_11 : vector<16xi32>
        %add3A_174 = arith.addi %min3A_173, %mul3A_8 : vector<16xi32>
        tpu.vector_store_idx %arg8[%add3A_174], %broadcast_in_dim3A_9 {add = true} : memref<33040xf32, #tpu.memory_space<vmem>>[vector<16xi32>], vector<16xf32>,
        %mul3A_175 = arith.constant 4 : i32
        %mul3A_176 = arith.muli %scan3A_150, %mul3A_175 : i32
        %add3A_177 = arith.constant 2 : i32
        %add3A_178 = arith.addi %mul3A_176, %add3A_177 : i32
        %mul3A_179 = arith.constant 16 : i32
        %mul3A_180 = arith.muli %add3A_178, %mul3A_179 : i32
        %get3A_181 = arith.index_cast %mul3A_180 : i32 to index
        %get3A_182 = tpu.vector_load %arg6[%get3A_181] {strides = array<i32>} : memref<8192xf32, #tpu.memory_space<vmem>>, vector<16xf32>,
        %sub3A_183 = arith.subf %get3A_182, %get3A_3 : vector<16xf32>
        %mul3A_184 = arith.mulf %sub3A_183, %get3A_5 : vector<16xf32>
        %convert_element_type3A_185 = arith.fptosi %mul3A_184 : vector<16xf32> to vector<16xi32>
        %min3A_186 = arith.minsi %convert_element_type3A_185, %broadcast_in_dim3A_11 : vector<16xi32>
        %add3A_187 = arith.addi %min3A_186, %mul3A_8 : vector<16xi32>
        tpu.vector_store_idx %arg8[%add3A_187], %broadcast_in_dim3A_9 {add = true} : memref<33040xf32, #tpu.memory_space<vmem>>[vector<16xi32>], vector<16xf32>,
        %mul3A_188 = arith.constant 4 : i32
        %mul3A_189 = arith.muli %scan3A_150, %mul3A_188 : i32
        %add3A_190 = arith.constant 3 : i32
        %add3A_191 = arith.addi %mul3A_189, %add3A_190 : i32
        %mul3A_192 = arith.constant 16 : i32
        %mul3A_193 = arith.muli %add3A_191, %mul3A_192 : i32
        %get3A_194 = arith.index_cast %mul3A_193 : i32 to index
        %get3A_195 = tpu.vector_load %arg6[%get3A_194] {strides = array<i32>} : memref<8192xf32, #tpu.memory_space<vmem>>, vector<16xf32>,
        %sub3A_196 = arith.subf %get3A_195, %get3A_3 : vector<16xf32>
        %mul3A_197 = arith.mulf %sub3A_196, %get3A_5 : vector<16xf32>
        %convert_element_type3A_198 = arith.fptosi %mul3A_197 : vector<16xf32> to vector<16xi32>
        %min3A_199 = arith.minsi %convert_element_type3A_198, %broadcast_in_dim3A_11 : vector<16xi32>
        %add3A_200 = arith.addi %min3A_199, %mul3A_8 : vector<16xi32>
        tpu.vector_store_idx %arg8[%add3A_200], %broadcast_in_dim3A_9 {add = true} : memref<33040xf32, #tpu.memory_space<vmem>>[vector<16xi32>], vector<16xf32>,
        %scan3A_201 = arith.constant 0 : i32
        scf.yield %scan3A_201 : i32
      }
      %scan3A_141 = arith.constant 128 : i32
      %add3A_142 = arith.constant 3 : i32
      %add3A_143 = arith.addi %mul3A_112, %add3A_142 : i32
      %mul3A_144 = arith.constant 8192 : i32
      %mul3A_145 = arith.muli %add3A_143, %mul3A_144 : i32
      %add3A_146 = arith.addi %mul3A_2, %mul3A_145 : i32
      %dma_start3A_147 = tpu.memref_slice %arg2[%add3A_146] : memref<33554432xf32, #tpu.memory_space<hbm>> -> memref<8192xf32, #tpu.memory_space<hbm>>
      %dma_start3A_148 = tpu.memref_slice %arg2[%add3A_146] : memref<33554432xf32, #tpu.memory_space<hbm>> -> memref<8192xf32, #tpu.memory_space<hbm>>
      tpu.enqueue_dma source(%dma_start3A_148 : memref<8192xf32, #tpu.memory_space<hbm>>) target(%arg6 : memref<8192xf32, #tpu.memory_space<vmem>>) target_semaphore(%arg11 : memref<!tpu.dma_semaphore, #tpu.memory_space<semaphore_mem>>)
      %scan3A_149 = arith.constant 0 : i32
      scf.yield %scan3A_149 : i32
    }
    %scan3A_31 = arith.constant 63 : i32
    %dma_wait3A = arith.constant 0 : i32
    %dma_wait3A_32 = tpu.memref_slice %arg2[%dma_wait3A] : memref<33554432xf32, #tpu.memory_space<hbm>> -> memref<8192xf32, #tpu.memory_space<hbm>>
    %dma_wait3A_33 = arith.constant 0 : i32
    %dma_wait3A_34 = tpu.memref_slice %arg2[%dma_wait3A_33] : memref<33554432xf32, #tpu.memory_space<hbm>> -> memref<8192xf32, #tpu.memory_space<hbm>>
    tpu.wait_dma2 semaphore(%arg10 : memref<!tpu.dma_semaphore, #tpu.memory_space<semaphore_mem>>) src(%dma_wait3A_34 : memref<8192xf32, #tpu.memory_space<hbm>>) dst(%arg5 : memref<8192xf32, #tpu.memory_space<vmem>>)
    %scan3A_35 = arith.constant 0 : i32
    %scan3A_36 = arith.constant 0 : i32
    %scan3A_37 = arith.constant 128 : i32
    %scan3A_38 = arith.addi %scan3A_36, %scan3A_37 : i32
    %scan3A_39 = arith.constant 1 : i32
    %scan3A_40 = scf.for %scan3A_109 = %scan3A_36 to %scan3A_38 step %scan3A_39 iter_args(%scan3A_110 = %scan3A_35) -> (i32)  : i32 {
      %mul3A_111 = arith.constant 4 : i32
      %mul3A_112 = arith.muli %scan3A_109, %mul3A_111 : i32
      %add3A_113 = arith.constant 0 : i32
      %add3A_114 = arith.addi %mul3A_112, %add3A_113 : i32
      %mul3A_115 = arith.constant 16 : i32
      %mul3A_116 = arith.muli %add3A_114, %mul3A_115 : i32
      %get3A_117 = arith.index_cast %mul3A_116 : i32 to index
      %get3A_118 = tpu.vector_load %arg5[%get3A_117] {strides = array<i32>} : memref<8192xf32, #tpu.memory_space<vmem>>, vector<16xf32>,
      %sub3A = arith.subf %get3A_118, %get3A_3 : vector<16xf32>
      %mul3A_119 = arith.mulf %sub3A, %get3A_5 : vector<16xf32>
      %convert_element_type3A = arith.fptosi %mul3A_119 : vector<16xf32> to vector<16xi32>
      %min3A = arith.minsi %convert_element_type3A, %broadcast_in_dim3A_11 : vector<16xi32>
      %add3A_120 = arith.addi %min3A, %mul3A_8 : vector<16xi32>
      tpu.vector_store_idx %arg8[%add3A_120], %broadcast_in_dim3A_9 {add = true} : memref<33040xf32, #tpu.memory_space<vmem>>[vector<16xi32>], vector<16xf32>,
      %mul3A_121 = arith.constant 4 : i32
      %mul3A_122 = arith.muli %scan3A_109, %mul3A_121 : i32
      %add3A_123 = arith.constant 1 : i32
      %add3A_124 = arith.addi %mul3A_122, %add3A_123 : i32
      %mul3A_125 = arith.constant 16 : i32
      %mul3A_126 = arith.muli %add3A_124, %mul3A_125 : i32
      %get3A_127 = arith.index_cast %mul3A_126 : i32 to index
      %get3A_128 = tpu.vector_load %arg5[%get3A_127] {strides = array<i32>} : memref<8192xf32, #tpu.memory_space<vmem>>, vector<16xf32>,
      %sub3A_129 = arith.subf %get3A_128, %get3A_3 : vector<16xf32>
      %mul3A_130 = arith.mulf %sub3A_129, %get3A_5 : vector<16xf32>
      %convert_element_type3A_131 = arith.fptosi %mul3A_130 : vector<16xf32> to vector<16xi32>
      %min3A_132 = arith.minsi %convert_element_type3A_131, %broadcast_in_dim3A_11 : vector<16xi32>
      %add3A_133 = arith.addi %min3A_132, %mul3A_8 : vector<16xi32>
      tpu.vector_store_idx %arg8[%add3A_133], %broadcast_in_dim3A_9 {add = true} : memref<33040xf32, #tpu.memory_space<vmem>>[vector<16xi32>], vector<16xf32>,
      %mul3A_134 = arith.constant 4 : i32
      %mul3A_135 = arith.muli %scan3A_109, %mul3A_134 : i32
      %add3A_136 = arith.constant 2 : i32
      %add3A_137 = arith.addi %mul3A_135, %add3A_136 : i32
      %mul3A_138 = arith.constant 16 : i32
      %mul3A_139 = arith.muli %add3A_137, %mul3A_138 : i32
      %get3A_140 = arith.index_cast %mul3A_139 : i32 to index
      %get3A_141 = tpu.vector_load %arg5[%get3A_140] {strides = array<i32>} : memref<8192xf32, #tpu.memory_space<vmem>>, vector<16xf32>,
      %sub3A_142 = arith.subf %get3A_141, %get3A_3 : vector<16xf32>
      %mul3A_143 = arith.mulf %sub3A_142, %get3A_5 : vector<16xf32>
      %convert_element_type3A_144 = arith.fptosi %mul3A_143 : vector<16xf32> to vector<16xi32>
      %min3A_145 = arith.minsi %convert_element_type3A_144, %broadcast_in_dim3A_11 : vector<16xi32>
      %add3A_146 = arith.addi %min3A_145, %mul3A_8 : vector<16xi32>
      tpu.vector_store_idx %arg8[%add3A_146], %broadcast_in_dim3A_9 {add = true} : memref<33040xf32, #tpu.memory_space<vmem>>[vector<16xi32>], vector<16xf32>,
      %mul3A_147 = arith.constant 4 : i32
      %mul3A_148 = arith.muli %scan3A_109, %mul3A_147 : i32
      %add3A_149 = arith.constant 3 : i32
      %add3A_150 = arith.addi %mul3A_148, %add3A_149 : i32
      %mul3A_151 = arith.constant 16 : i32
      %mul3A_152 = arith.muli %add3A_150, %mul3A_151 : i32
      %get3A_153 = arith.index_cast %mul3A_152 : i32 to index
      %get3A_154 = tpu.vector_load %arg5[%get3A_153] {strides = array<i32>} : memref<8192xf32, #tpu.memory_space<vmem>>, vector<16xf32>,
      %sub3A_155 = arith.subf %get3A_154, %get3A_3 : vector<16xf32>
      %mul3A_156 = arith.mulf %sub3A_155, %get3A_5 : vector<16xf32>
      %convert_element_type3A_157 = arith.fptosi %mul3A_156 : vector<16xf32> to vector<16xi32>
      %min3A_158 = arith.minsi %convert_element_type3A_157, %broadcast_in_dim3A_11 : vector<16xi32>
      %add3A_159 = arith.addi %min3A_158, %mul3A_8 : vector<16xi32>
      tpu.vector_store_idx %arg8[%add3A_159], %broadcast_in_dim3A_9 {add = true} : memref<33040xf32, #tpu.memory_space<vmem>>[vector<16xi32>], vector<16xf32>,
      %scan3A_160 = arith.constant 0 : i32
      scf.yield %scan3A_160 : i32
    }
    %scan3A_41 = arith.constant 128 : i32
    %dma_wait3A_42 = arith.constant 0 : i32
    %dma_wait3A_43 = tpu.memref_slice %arg2[%dma_wait3A_42] : memref<33554432xf32, #tpu.memory_space<hbm>> -> memref<8192xf32, #tpu.memory_space<hbm>>
    %dma_wait3A_44 = arith.constant 0 : i32
    %dma_wait3A_45 = tpu.memref_slice %arg2[%dma_wait3A_44] : memref<33554432xf32, #tpu.memory_space<hbm>> -> memref<8192xf32, #tpu.memory_space<hbm>>
    tpu.wait_dma2 semaphore(%arg11 : memref<!tpu.dma_semaphore, #tpu.memory_space<semaphore_mem>>) src(%dma_wait3A_45 : memref<8192xf32, #tpu.memory_space<hbm>>) dst(%arg6 : memref<8192xf32, #tpu.memory_space<vmem>>)
    %scan3A_46 = arith.constant 0 : i32
    %scan3A_47 = arith.constant 0 : i32
    %scan3A_48 = arith.constant 128 : i32
    %scan3A_49 = arith.addi %scan3A_47, %scan3A_48 : i32
    %scan3A_50 = arith.constant 1 : i32
    %scan3A_51 = scf.for %scan3A_109 = %scan3A_47 to %scan3A_49 step %scan3A_50 iter_args(%scan3A_110 = %scan3A_46) -> (i32)  : i32 {
      %mul3A_111 = arith.constant 4 : i32
      %mul3A_112 = arith.muli %scan3A_109, %mul3A_111 : i32
      %add3A_113 = arith.constant 0 : i32
      %add3A_114 = arith.addi %mul3A_112, %add3A_113 : i32
      %mul3A_115 = arith.constant 16 : i32
      %mul3A_116 = arith.muli %add3A_114, %mul3A_115 : i32
      %get3A_117 = arith.index_cast %mul3A_116 : i32 to index
      %get3A_118 = tpu.vector_load %arg6[%get3A_117] {strides = array<i32>} : memref<8192xf32, #tpu.memory_space<vmem>>, vector<16xf32>,
      %sub3A = arith.subf %get3A_118, %get3A_3 : vector<16xf32>
      %mul3A_119 = arith.mulf %sub3A, %get3A_5 : vector<16xf32>
      %convert_element_type3A = arith.fptosi %mul3A_119 : vector<16xf32> to vector<16xi32>
      %min3A = arith.minsi %convert_element_type3A, %broadcast_in_dim3A_11 : vector<16xi32>
      %add3A_120 = arith.addi %min3A, %mul3A_8 : vector<16xi32>
      tpu.vector_store_idx %arg8[%add3A_120], %broadcast_in_dim3A_9 {add = true} : memref<33040xf32, #tpu.memory_space<vmem>>[vector<16xi32>], vector<16xf32>,
      %mul3A_121 = arith.constant 4 : i32
      %mul3A_122 = arith.muli %scan3A_109, %mul3A_121 : i32
      %add3A_123 = arith.constant 1 : i32
      %add3A_124 = arith.addi %mul3A_122, %add3A_123 : i32
      %mul3A_125 = arith.constant 16 : i32
      %mul3A_126 = arith.muli %add3A_124, %mul3A_125 : i32
      %get3A_127 = arith.index_cast %mul3A_126 : i32 to index
      %get3A_128 = tpu.vector_load %arg6[%get3A_127] {strides = array<i32>} : memref<8192xf32, #tpu.memory_space<vmem>>, vector<16xf32>,
      %sub3A_129 = arith.subf %get3A_128, %get3A_3 : vector<16xf32>
      %mul3A_130 = arith.mulf %sub3A_129, %get3A_5 : vector<16xf32>
      %convert_element_type3A_131 = arith.fptosi %mul3A_130 : vector<16xf32> to vector<16xi32>
      %min3A_132 = arith.minsi %convert_element_type3A_131, %broadcast_in_dim3A_11 : vector<16xi32>
      %add3A_133 = arith.addi %min3A_132, %mul3A_8 : vector<16xi32>
      tpu.vector_store_idx %arg8[%add3A_133], %broadcast_in_dim3A_9 {add = true} : memref<33040xf32, #tpu.memory_space<vmem>>[vector<16xi32>], vector<16xf32>,
      %mul3A_134 = arith.constant 4 : i32
      %mul3A_135 = arith.muli %scan3A_109, %mul3A_134 : i32
      %add3A_136 = arith.constant 2 : i32
      %add3A_137 = arith.addi %mul3A_135, %add3A_136 : i32
      %mul3A_138 = arith.constant 16 : i32
      %mul3A_139 = arith.muli %add3A_137, %mul3A_138 : i32
      %get3A_140 = arith.index_cast %mul3A_139 : i32 to index
      %get3A_141 = tpu.vector_load %arg6[%get3A_140] {strides = array<i32>} : memref<8192xf32, #tpu.memory_space<vmem>>, vector<16xf32>,
      %sub3A_142 = arith.subf %get3A_141, %get3A_3 : vector<16xf32>
      %mul3A_143 = arith.mulf %sub3A_142, %get3A_5 : vector<16xf32>
      %convert_element_type3A_144 = arith.fptosi %mul3A_143 : vector<16xf32> to vector<16xi32>
      %min3A_145 = arith.minsi %convert_element_type3A_144, %broadcast_in_dim3A_11 : vector<16xi32>
      %add3A_146 = arith.addi %min3A_145, %mul3A_8 : vector<16xi32>
      tpu.vector_store_idx %arg8[%add3A_146], %broadcast_in_dim3A_9 {add = true} : memref<33040xf32, #tpu.memory_space<vmem>>[vector<16xi32>], vector<16xf32>,
      %mul3A_147 = arith.constant 4 : i32
      %mul3A_148 = arith.muli %scan3A_109, %mul3A_147 : i32
      %add3A_149 = arith.constant 3 : i32
      %add3A_150 = arith.addi %mul3A_148, %add3A_149 : i32
      %mul3A_151 = arith.constant 16 : i32
      %mul3A_152 = arith.muli %add3A_150, %mul3A_151 : i32
      %get3A_153 = arith.index_cast %mul3A_152 : i32 to index
      %get3A_154 = tpu.vector_load %arg6[%get3A_153] {strides = array<i32>} : memref<8192xf32, #tpu.memory_space<vmem>>, vector<16xf32>,
      %sub3A_155 = arith.subf %get3A_154, %get3A_3 : vector<16xf32>
      %mul3A_156 = arith.mulf %sub3A_155, %get3A_5 : vector<16xf32>
      %convert_element_type3A_157 = arith.fptosi %mul3A_156 : vector<16xf32> to vector<16xi32>
      %min3A_158 = arith.minsi %convert_element_type3A_157, %broadcast_in_dim3A_11 : vector<16xi32>
      %add3A_159 = arith.addi %min3A_158, %mul3A_8 : vector<16xi32>
      tpu.vector_store_idx %arg8[%add3A_159], %broadcast_in_dim3A_9 {add = true} : memref<33040xf32, #tpu.memory_space<vmem>>[vector<16xi32>], vector<16xf32>,
      %scan3A_160 = arith.constant 0 : i32
      scf.yield %scan3A_160 : i32
    }
    %scan3A_52 = arith.constant 128 : i32
    %scan3A_53 = arith.constant 0 : i32
    %scan3A_54 = arith.constant 0 : i32
    %scan3A_55 = arith.constant 128 : i32
    %scan3A_56 = arith.addi %scan3A_54, %scan3A_55 : i32
    %scan3A_57 = arith.constant 1 : i32
    %scan3A_58 = scf.for %scan3A_109 = %scan3A_54 to %scan3A_56 step %scan3A_57 iter_args(%scan3A_110 = %scan3A_53) -> (i32)  : i32 {
      %mul3A_111 = arith.constant 16 : i32
      %mul3A_112 = arith.muli %scan3A_109, %mul3A_111 : i32
      %add3A_113 = arith.constant 0 : i32
      %add3A_114 = arith.addi %add3A_113, %mul3A_112 : i32
      %get3A_115 = arith.index_cast %add3A_114 : i32 to index
      %get3A_116 = tpu.vector_load %arg8[%get3A_115] {strides = array<i32>} : memref<33040xf32, #tpu.memory_space<vmem>>, vector<16xf32>,
      %add3A_117 = arith.constant 2065 : i32
      %add3A_118 = arith.addi %add3A_117, %mul3A_112 : i32
      %get3A_119 = arith.index_cast %add3A_118 : i32 to index
      %get3A_120 = tpu.vector_load %arg8[%get3A_119] {strides = array<i32>} : memref<33040xf32, #tpu.memory_space<vmem>>, vector<16xf32>,
      %add3A_121 = arith.addf %get3A_116, %get3A_120 : vector<16xf32>
      %add3A_122 = arith.constant 0 : i32
      %add3A_123 = arith.addi %add3A_122, %mul3A_112 : i32
      %swap3A_124 = arith.index_cast %add3A_123 : i32 to index
      %swap3A_125 = tpu.vector_load %arg8[%swap3A_124] {strides = array<i32>} : memref<33040xf32, #tpu.memory_space<vmem>>, vector<16xf32>,
      tpu.vector_store %arg8[%swap3A_124], %add3A_121 {strides = array<i32>} : memref<33040xf32, #tpu.memory_space<vmem>>, vector<16xf32>,
      %add3A_126 = arith.constant 4130 : i32
      %add3A_127 = arith.addi %add3A_126, %mul3A_112 : i32
      %get3A_128 = arith.index_cast %add3A_127 : i32 to index
      %get3A_129 = tpu.vector_load %arg8[%get3A_128] {strides = array<i32>} : memref<33040xf32, #tpu.memory_space<vmem>>, vector<16xf32>,
      %add3A_130 = arith.constant 6195 : i32
      %add3A_131 = arith.addi %add3A_130, %mul3A_112 : i32
      %get3A_132 = arith.index_cast %add3A_131 : i32 to index
      %get3A_133 = tpu.vector_load %arg8[%get3A_132] {strides = array<i32>} : memref<33040xf32, #tpu.memory_space<vmem>>, vector<16xf32>,
      %add3A_134 = arith.addf %get3A_129, %get3A_133 : vector<16xf32>
      %add3A_135 = arith.constant 4130 : i32
      %add3A_136 = arith.addi %add3A_135, %mul3A_112 : i32
      %swap3A_137 = arith.index_cast %add3A_136 : i32 to index
      %swap3A_138 = tpu.vector_load %arg8[%swap3A_137] {strides = array<i32>} : memref<33040xf32, #tpu.memory_space<vmem>>, vector<16xf32>,
      tpu.vector_store %arg8[%swap3A_137], %add3A_134 {strides = array<i32>} : memref<33040xf32, #tpu.memory_space<vmem>>, vector<16xf32>,
      %add3A_139 = arith.constant 8260 : i32
      %add3A_140 = arith.addi %add3A_139, %mul3A_112 : i32
      %get3A_141 = arith.index_cast %add3A_140 : i32 to index
      %get3A_142 = tpu.vector_load %arg8[%get3A_141] {strides = array<i32>} : memref<33040xf32, #tpu.memory_space<vmem>>, vector<16xf32>,
      %add3A_143 = arith.constant 10325 : i32
      %add3A_144 = arith.addi %add3A_143, %mul3A_112 : i32
      %get3A_145 = arith.index_cast %add3A_144 : i32 to index
      %get3A_146 = tpu.vector_load %arg8[%get3A_145] {strides = array<i32>} : memref<33040xf32, #tpu.memory_space<vmem>>, vector<16xf32>,
      %add3A_147 = arith.addf %get3A_142, %get3A_146 : vector<16xf32>
      %add3A_148 = arith.constant 8260 : i32
      %add3A_149 = arith.addi %add3A_148, %mul3A_112 : i32
      %swap3A_150 = arith.index_cast %add3A_149 : i32 to index
      %swap3A_151 = tpu.vector_load %arg8[%swap3A_150] {strides = array<i32>} : memref<33040xf32, #tpu.memory_space<vmem>>, vector<16xf32>,
      tpu.vector_store %arg8[%swap3A_150], %add3A_147 {strides = array<i32>} : memref<33040xf32, #tpu.memory_space<vmem>>, vector<16xf32>,
      %add3A_152 = arith.constant 12390 : i32
      %add3A_153 = arith.addi %add3A_152, %mul3A_112 : i32
      %get3A_154 = arith.index_cast %add3A_153 : i32 to index
      %get3A_155 = tpu.vector_load %arg8[%get3A_154] {strides = array<i32>} : memref<33040xf32, #tpu.memory_space<vmem>>, vector<16xf32>,
      %add3A_156 = arith.constant 14455 : i32
      %add3A_157 = arith.addi %add3A_156, %mul3A_112 : i32
      %get3A_158 = arith.index_cast %add3A_157 : i32 to index
      %get3A_159 = tpu.vector_load %arg8[%get3A_158] {strides = array<i32>} : memref<33040xf32, #tpu.memory_space<vmem>>, vector<16xf32>,
      %add3A_160 = arith.addf %get3A_155, %get3A_159 : vector<16xf32>
      %add3A_161 = arith.constant 12390 : i32
      %add3A_162 = arith.addi %add3A_161, %mul3A_112 : i32
      %swap3A_163 = arith.index_cast %add3A_162 : i32 to index
      %swap3A_164 = tpu.vector_load %arg8[%swap3A_163] {strides = array<i32>} : memref<33040xf32, #tpu.memory_space<vmem>>, vector<16xf32>,
      tpu.vector_store %arg8[%swap3A_163], %add3A_160 {strides = array<i32>} : memref<33040xf32, #tpu.memory_space<vmem>>, vector<16xf32>,
      %add3A_165 = arith.constant 16520 : i32
      %add3A_166 = arith.addi %add3A_165, %mul3A_112 : i32
      %get3A_167 = arith.index_cast %add3A_166 : i32 to index
      %get3A_168 = tpu.vector_load %arg8[%get3A_167] {strides = array<i32>} : memref<33040xf32, #tpu.memory_space<vmem>>, vector<16xf32>,
      %add3A_169 = arith.constant 18585 : i32
      %add3A_170 = arith.addi %add3A_169, %mul3A_112 : i32
      %get3A_171 = arith.index_cast %add3A_170 : i32 to index
      %get3A_172 = tpu.vector_load %arg8[%get3A_171] {strides = array<i32>} : memref<33040xf32, #tpu.memory_space<vmem>>, vector<16xf32>,
      %add3A_173 = arith.addf %get3A_168, %get3A_172 : vector<16xf32>
      %add3A_174 = arith.constant 16520 : i32
      %add3A_175 = arith.addi %add3A_174, %mul3A_112 : i32
      %swap3A_176 = arith.index_cast %add3A_175 : i32 to index
      %swap3A_177 = tpu.vector_load %arg8[%swap3A_176] {strides = array<i32>} : memref<33040xf32, #tpu.memory_space<vmem>>, vector<16xf32>,
      tpu.vector_store %arg8[%swap3A_176], %add3A_173 {strides = array<i32>} : memref<33040xf32, #tpu.memory_space<vmem>>, vector<16xf32>,
      %add3A_178 = arith.constant 20650 : i32
      %add3A_179 = arith.addi %add3A_178, %mul3A_112 : i32
      %get3A_180 = arith.index_cast %add3A_179 : i32 to index
      %get3A_181 = tpu.vector_load %arg8[%get3A_180] {strides = array<i32>} : memref<33040xf32, #tpu.memory_space<vmem>>, vector<16xf32>,
      %add3A_182 = arith.constant 22715 : i32
      %add3A_183 = arith.addi %add3A_182, %mul3A_112 : i32
      %get3A_184 = arith.index_cast %add3A_183 : i32 to index
      %get3A_185 = tpu.vector_load %arg8[%get3A_184] {strides = array<i32>} : memref<33040xf32, #tpu.memory_space<vmem>>, vector<16xf32>,
      %add3A_186 = arith.addf %get3A_181, %get3A_185 : vector<16xf32>
      %add3A_187 = arith.constant 20650 : i32
      %add3A_188 = arith.addi %add3A_187, %mul3A_112 : i32
      %swap3A_189 = arith.index_cast %add3A_188 : i32 to index
      %swap3A_190 = tpu.vector_load %arg8[%swap3A_189] {strides = array<i32>} : memref<33040xf32, #tpu.memory_space<vmem>>, vector<16xf32>,
      tpu.vector_store %arg8[%swap3A_189], %add3A_186 {strides = array<i32>} : memref<33040xf32, #tpu.memory_space<vmem>>, vector<16xf32>,
      %add3A_191 = arith.constant 24780 : i32
      %add3A_192 = arith.addi %add3A_191, %mul3A_112 : i32
      %get3A_193 = arith.index_cast %add3A_192 : i32 to index
      %get3A_194 = tpu.vector_load %arg8[%get3A_193] {strides = array<i32>} : memref<33040xf32, #tpu.memory_space<vmem>>, vector<16xf32>,
      %add3A_195 = arith.constant 26845 : i32
      %add3A_196 = arith.addi %add3A_195, %mul3A_112 : i32
      %get3A_197 = arith.index_cast %add3A_196 : i32 to index
      %get3A_198 = tpu.vector_load %arg8[%get3A_197] {strides = array<i32>} : memref<33040xf32, #tpu.memory_space<vmem>>, vector<16xf32>,
      %add3A_199 = arith.addf %get3A_194, %get3A_198 : vector<16xf32>
      %add3A_200 = arith.constant 24780 : i32
      %add3A_201 = arith.addi %add3A_200, %mul3A_112 : i32
      %swap3A_202 = arith.index_cast %add3A_201 : i32 to index
      %swap3A_203 = tpu.vector_load %arg8[%swap3A_202] {strides = array<i32>} : memref<33040xf32, #tpu.memory_space<vmem>>, vector<16xf32>,
      tpu.vector_store %arg8[%swap3A_202], %add3A_199 {strides = array<i32>} : memref<33040xf32, #tpu.memory_space<vmem>>, vector<16xf32>,
      %add3A_204 = arith.constant 28910 : i32
      %add3A_205 = arith.addi %add3A_204, %mul3A_112 : i32
      %get3A_206 = arith.index_cast %add3A_205 : i32 to index
      %get3A_207 = tpu.vector_load %arg8[%get3A_206] {strides = array<i32>} : memref<33040xf32, #tpu.memory_space<vmem>>, vector<16xf32>,
      %add3A_208 = arith.constant 30975 : i32
      %add3A_209 = arith.addi %add3A_208, %mul3A_112 : i32
      %get3A_210 = arith.index_cast %add3A_209 : i32 to index
      %get3A_211 = tpu.vector_load %arg8[%get3A_210] {strides = array<i32>} : memref<33040xf32, #tpu.memory_space<vmem>>, vector<16xf32>,
      %add3A_212 = arith.addf %get3A_207, %get3A_211 : vector<16xf32>
      %add3A_213 = arith.constant 28910 : i32
      %add3A_214 = arith.addi %add3A_213, %mul3A_112 : i32
      %swap3A_215 = arith.index_cast %add3A_214 : i32 to index
      %swap3A_216 = tpu.vector_load %arg8[%swap3A_215] {strides = array<i32>} : memref<33040xf32, #tpu.memory_space<vmem>>, vector<16xf32>,
      tpu.vector_store %arg8[%swap3A_215], %add3A_212 {strides = array<i32>} : memref<33040xf32, #tpu.memory_space<vmem>>, vector<16xf32>,
      %scan3A_217 = arith.constant 0 : i32
      scf.yield %scan3A_217 : i32
    }
    %scan3A_59 = arith.constant 128 : i32
    %scan3A_60 = arith.constant 0 : i32
    %scan3A_61 = arith.constant 0 : i32
    %scan3A_62 = arith.constant 128 : i32
    %scan3A_63 = arith.addi %scan3A_61, %scan3A_62 : i32
    %scan3A_64 = arith.constant 1 : i32
    %scan3A_65 = scf.for %scan3A_109 = %scan3A_61 to %scan3A_63 step %scan3A_64 iter_args(%scan3A_110 = %scan3A_60) -> (i32)  : i32 {
      %mul3A_111 = arith.constant 16 : i32
      %mul3A_112 = arith.muli %scan3A_109, %mul3A_111 : i32
      %add3A_113 = arith.constant 0 : i32
      %add3A_114 = arith.addi %add3A_113, %mul3A_112 : i32
      %get3A_115 = arith.index_cast %add3A_114 : i32 to index
      %get3A_116 = tpu.vector_load %arg8[%get3A_115] {strides = array<i32>} : memref<33040xf32, #tpu.memory_space<vmem>>, vector<16xf32>,
      %add3A_117 = arith.constant 4130 : i32
      %add3A_118 = arith.addi %add3A_117, %mul3A_112 : i32
      %get3A_119 = arith.index_cast %add3A_118 : i32 to index
      %get3A_120 = tpu.vector_load %arg8[%get3A_119] {strides = array<i32>} : memref<33040xf32, #tpu.memory_space<vmem>>, vector<16xf32>,
      %add3A_121 = arith.addf %get3A_116, %get3A_120 : vector<16xf32>
      %add3A_122 = arith.constant 0 : i32
      %add3A_123 = arith.addi %add3A_122, %mul3A_112 : i32
      %swap3A_124 = arith.index_cast %add3A_123 : i32 to index
      %swap3A_125 = tpu.vector_load %arg8[%swap3A_124] {strides = array<i32>} : memref<33040xf32, #tpu.memory_space<vmem>>, vector<16xf32>,
      tpu.vector_store %arg8[%swap3A_124], %add3A_121 {strides = array<i32>} : memref<33040xf32, #tpu.memory_space<vmem>>, vector<16xf32>,
      %add3A_126 = arith.constant 8260 : i32
      %add3A_127 = arith.addi %add3A_126, %mul3A_112 : i32
      %get3A_128 = arith.index_cast %add3A_127 : i32 to index
      %get3A_129 = tpu.vector_load %arg8[%get3A_128] {strides = array<i32>} : memref<33040xf32, #tpu.memory_space<vmem>>, vector<16xf32>,
      %add3A_130 = arith.constant 12390 : i32
      %add3A_131 = arith.addi %add3A_130, %mul3A_112 : i32
      %get3A_132 = arith.index_cast %add3A_131 : i32 to index
      %get3A_133 = tpu.vector_load %arg8[%get3A_132] {strides = array<i32>} : memref<33040xf32, #tpu.memory_space<vmem>>, vector<16xf32>,
      %add3A_134 = arith.addf %get3A_129, %get3A_133 : vector<16xf32>
      %add3A_135 = arith.constant 8260 : i32
      %add3A_136 = arith.addi %add3A_135, %mul3A_112 : i32
      %swap3A_137 = arith.index_cast %add3A_136 : i32 to index
      %swap3A_138 = tpu.vector_load %arg8[%swap3A_137] {strides = array<i32>} : memref<33040xf32, #tpu.memory_space<vmem>>, vector<16xf32>,
      tpu.vector_store %arg8[%swap3A_137], %add3A_134 {strides = array<i32>} : memref<33040xf32, #tpu.memory_space<vmem>>, vector<16xf32>,
      %add3A_139 = arith.constant 16520 : i32
      %add3A_140 = arith.addi %add3A_139, %mul3A_112 : i32
      %get3A_141 = arith.index_cast %add3A_140 : i32 to index
      %get3A_142 = tpu.vector_load %arg8[%get3A_141] {strides = array<i32>} : memref<33040xf32, #tpu.memory_space<vmem>>, vector<16xf32>,
      %add3A_143 = arith.constant 20650 : i32
      %add3A_144 = arith.addi %add3A_143, %mul3A_112 : i32
      %get3A_145 = arith.index_cast %add3A_144 : i32 to index
      %get3A_146 = tpu.vector_load %arg8[%get3A_145] {strides = array<i32>} : memref<33040xf32, #tpu.memory_space<vmem>>, vector<16xf32>,
      %add3A_147 = arith.addf %get3A_142, %get3A_146 : vector<16xf32>
      %add3A_148 = arith.constant 16520 : i32
      %add3A_149 = arith.addi %add3A_148, %mul3A_112 : i32
      %swap3A_150 = arith.index_cast %add3A_149 : i32 to index
      %swap3A_151 = tpu.vector_load %arg8[%swap3A_150] {strides = array<i32>} : memref<33040xf32, #tpu.memory_space<vmem>>, vector<16xf32>,
      tpu.vector_store %arg8[%swap3A_150], %add3A_147 {strides = array<i32>} : memref<33040xf32, #tpu.memory_space<vmem>>, vector<16xf32>,
      %add3A_152 = arith.constant 24780 : i32
      %add3A_153 = arith.addi %add3A_152, %mul3A_112 : i32
      %get3A_154 = arith.index_cast %add3A_153 : i32 to index
      %get3A_155 = tpu.vector_load %arg8[%get3A_154] {strides = array<i32>} : memref<33040xf32, #tpu.memory_space<vmem>>, vector<16xf32>,
      %add3A_156 = arith.constant 28910 : i32
      %add3A_157 = arith.addi %add3A_156, %mul3A_112 : i32
      %get3A_158 = arith.index_cast %add3A_157 : i32 to index
      %get3A_159 = tpu.vector_load %arg8[%get3A_158] {strides = array<i32>} : memref<33040xf32, #tpu.memory_space<vmem>>, vector<16xf32>,
      %add3A_160 = arith.addf %get3A_155, %get3A_159 : vector<16xf32>
      %add3A_161 = arith.constant 24780 : i32
      %add3A_162 = arith.addi %add3A_161, %mul3A_112 : i32
      %swap3A_163 = arith.index_cast %add3A_162 : i32 to index
      %swap3A_164 = tpu.vector_load %arg8[%swap3A_163] {strides = array<i32>} : memref<33040xf32, #tpu.memory_space<vmem>>, vector<16xf32>,
      tpu.vector_store %arg8[%swap3A_163], %add3A_160 {strides = array<i32>} : memref<33040xf32, #tpu.memory_space<vmem>>, vector<16xf32>,
      %scan3A_165 = arith.constant 0 : i32
      scf.yield %scan3A_165 : i32
    }
    %scan3A_66 = arith.constant 128 : i32
    %scan3A_67 = arith.constant 0 : i32
    %scan3A_68 = arith.constant 0 : i32
    %scan3A_69 = arith.constant 128 : i32
    %scan3A_70 = arith.addi %scan3A_68, %scan3A_69 : i32
    %scan3A_71 = arith.constant 1 : i32
    %scan3A_72 = scf.for %scan3A_109 = %scan3A_68 to %scan3A_70 step %scan3A_71 iter_args(%scan3A_110 = %scan3A_67) -> (i32)  : i32 {
      %mul3A_111 = arith.constant 16 : i32
      %mul3A_112 = arith.muli %scan3A_109, %mul3A_111 : i32
      %add3A_113 = arith.constant 0 : i32
      %add3A_114 = arith.addi %add3A_113, %mul3A_112 : i32
      %get3A_115 = arith.index_cast %add3A_114 : i32 to index
      %get3A_116 = tpu.vector_load %arg8[%get3A_115] {strides = array<i32>} : memref<33040xf32, #tpu.memory_space<vmem>>, vector<16xf32>,
      %add3A_117 = arith.constant 8260 : i32
      %add3A_118 = arith.addi %add3A_117, %mul3A_112 : i32
      %get3A_119 = arith.index_cast %add3A_118 : i32 to index
      %get3A_120 = tpu.vector_load %arg8[%get3A_119] {strides = array<i32>} : memref<33040xf32, #tpu.memory_space<vmem>>, vector<16xf32>,
      %add3A_121 = arith.addf %get3A_116, %get3A_120 : vector<16xf32>
      %add3A_122 = arith.constant 0 : i32
      %add3A_123 = arith.addi %add3A_122, %mul3A_112 : i32
      %swap3A_124 = arith.index_cast %add3A_123 : i32 to index
      %swap3A_125 = tpu.vector_load %arg8[%swap3A_124] {strides = array<i32>} : memref<33040xf32, #tpu.memory_space<vmem>>, vector<16xf32>,
      tpu.vector_store %arg8[%swap3A_124], %add3A_121 {strides = array<i32>} : memref<33040xf32, #tpu.memory_space<vmem>>, vector<16xf32>,
      %add3A_126 = arith.constant 16520 : i32
      %add3A_127 = arith.addi %add3A_126, %mul3A_112 : i32
      %get3A_128 = arith.index_cast %add3A_127 : i32 to index
      %get3A_129 = tpu.vector_load %arg8[%get3A_128] {strides = array<i32>} : memref<33040xf32, #tpu.memory_space<vmem>>, vector<16xf32>,
      %add3A_130 = arith.constant 24780 : i32
      %add3A_131 = arith.addi %add3A_130, %mul3A_112 : i32
      %get3A_132 = arith.index_cast %add3A_131 : i32 to index
      %get3A_133 = tpu.vector_load %arg8[%get3A_132] {strides = array<i32>} : memref<33040xf32, #tpu.memory_space<vmem>>, vector<16xf32>,
      %add3A_134 = arith.addf %get3A_129, %get3A_133 : vector<16xf32>
      %add3A_135 = arith.constant 16520 : i32
      %add3A_136 = arith.addi %add3A_135, %mul3A_112 : i32
      %swap3A_137 = arith.index_cast %add3A_136 : i32 to index
      %swap3A_138 = tpu.vector_load %arg8[%swap3A_137] {strides = array<i32>} : memref<33040xf32, #tpu.memory_space<vmem>>, vector<16xf32>,
      tpu.vector_store %arg8[%swap3A_137], %add3A_134 {strides = array<i32>} : memref<33040xf32, #tpu.memory_space<vmem>>, vector<16xf32>,
      %scan3A_139 = arith.constant 0 : i32
      scf.yield %scan3A_139 : i32
    }
    %scan3A_73 = arith.constant 128 : i32
    %scan3A_74 = arith.constant 0 : i32
    %scan3A_75 = arith.constant 0 : i32
    %scan3A_76 = arith.constant 128 : i32
    %scan3A_77 = arith.addi %scan3A_75, %scan3A_76 : i32
    %scan3A_78 = arith.constant 1 : i32
    %scan3A_79 = scf.for %scan3A_109 = %scan3A_75 to %scan3A_77 step %scan3A_78 iter_args(%scan3A_110 = %scan3A_74) -> (i32)  : i32 {
      %mul3A_111 = arith.constant 16 : i32
      %mul3A_112 = arith.muli %scan3A_109, %mul3A_111 : i32
      %add3A_113 = arith.constant 0 : i32
      %add3A_114 = arith.addi %add3A_113, %mul3A_112 : i32
      %get3A_115 = arith.index_cast %add3A_114 : i32 to index
      %get3A_116 = tpu.vector_load %arg8[%get3A_115] {strides = array<i32>} : memref<33040xf32, #tpu.memory_space<vmem>>, vector<16xf32>,
      %add3A_117 = arith.constant 16520 : i32
      %add3A_118 = arith.addi %add3A_117, %mul3A_112 : i32
      %get3A_119 = arith.index_cast %add3A_118 : i32 to index
      %get3A_120 = tpu.vector_load %arg8[%get3A_119] {strides = array<i32>} : memref<33040xf32, #tpu.memory_space<vmem>>, vector<16xf32>,
      %add3A_121 = arith.addf %get3A_116, %get3A_120 : vector<16xf32>
      %add3A_122 = arith.constant 0 : i32
      %add3A_123 = arith.addi %add3A_122, %mul3A_112 : i32
      %swap3A_124 = arith.index_cast %add3A_123 : i32 to index
      %swap3A_125 = tpu.vector_load %arg8[%swap3A_124] {strides = array<i32>} : memref<33040xf32, #tpu.memory_space<vmem>>, vector<16xf32>,
      tpu.vector_store %arg8[%swap3A_124], %add3A_121 {strides = array<i32>} : memref<33040xf32, #tpu.memory_space<vmem>>, vector<16xf32>,
      %scan3A_126 = arith.constant 0 : i32
      scf.yield %scan3A_126 : i32
    }
    %scan3A_80 = arith.constant 128 : i32
    %iota3A_81 = tpu.iota {dimensions = array<i32: 0>} : vector<16xi32>
    %mul3A_82 = arith.constant 2065 : i32
    %mul3A_83 = vector.broadcast %mul3A_82 : i32 to vector<16xi32>
    %mul3A_84 = arith.muli %iota3A_81, %mul3A_83 : vector<16xi32>
    %add3A_85 = arith.constant 2048 : i32
    %add3A_86 = vector.broadcast %add3A_85 : i32 to vector<16xi32>
    %add3A_87 = arith.addi %mul3A_84, %add3A_86 : vector<16xi32>
    %gather3A = tpu.vector_load_idx %arg8[%add3A_87] : memref<33040xf32, #tpu.memory_space<vmem>>[vector<16xi32>], vector<16xf32>,
    %get3A_88 = arith.constant 2032 : index
    %get3A_89 = tpu.vector_load %arg8[%get3A_88] {strides = array<i32>} : memref<33040xf32, #tpu.memory_space<vmem>>, vector<16xf32>,
    %reduce_sum3A = arith.constant true
    %reduce_sum3A_90 = vector.broadcast %reduce_sum3A : i1 to vector<16xi1>
    %reduce_sum3A_91 = tpu.scan <sum>, %gather3A masked %reduce_sum3A_90 : vector<16xf32>, vector<16xi1> -> vector<16xf32>
    %reduce_sum3A_92 = vector.extract %reduce_sum3A_91[15] : f32 from vector<16xf32>
    %iota3A_93 = tpu.iota {dimensions = array<i32: 0>} : vector<16xi32>
    %eq3A = arith.constant 15 : i32
    %eq3A_94 = vector.broadcast %eq3A : i32 to vector<16xi32>
    %eq3A_95 = arith.cmpi eq, %iota3A_93, %eq3A_94 : vector<16xi32>
    %jit3A = arith.constant 0.000000e+00 : f32
    %broadcast_in_dim3A_96 = vector.broadcast %reduce_sum3A_92 : f32 to vector<16xf32>
    %broadcast_in_dim3A_97 = vector.broadcast %jit3A : f32 to vector<16xf32>
    %select_n3A = arith.select %eq3A_95, %broadcast_in_dim3A_96, %broadcast_in_dim3A_97 : vector<16xi1>, vector<16xf32>
    %add3A_98 = arith.addf %get3A_89, %select_n3A : vector<16xf32>
    %swap3A = arith.constant 2032 : index
    %swap3A_99 = tpu.vector_load %arg8[%swap3A] {strides = array<i32>} : memref<33040xf32, #tpu.memory_space<vmem>>, vector<16xf32>,
    tpu.vector_store %arg8[%swap3A], %add3A_98 {strides = array<i32>} : memref<33040xf32, #tpu.memory_space<vmem>>, vector<16xf32>,
    %scan3A_100 = arith.constant 0 : i32
    %scan3A_101 = arith.constant 0 : i32
    %scan3A_102 = arith.constant 128 : i32
    %scan3A_103 = arith.addi %scan3A_101, %scan3A_102 : i32
    %scan3A_104 = arith.constant 1 : i32
    %scan3A_105 = scf.for %scan3A_109 = %scan3A_101 to %scan3A_103 step %scan3A_104 iter_args(%scan3A_110 = %scan3A_100) -> (i32)  : i32 {
      %mul3A_111 = arith.constant 16 : i32
      %mul3A_112 = arith.muli %scan3A_109, %mul3A_111 : i32
      %get3A_113 = arith.index_cast %mul3A_112 : i32 to index
      %get3A_114 = tpu.vector_load %arg8[%get3A_113] {strides = array<i32>} : memref<33040xf32, #tpu.memory_space<vmem>>, vector<16xf32>,
      %mul3A_115 = arith.constant 16 : i32
      %mul3A_116 = arith.muli %scan3A_109, %mul3A_115 : i32
      %swap3A_117 = arith.index_cast %mul3A_116 : i32 to index
      %swap3A_118 = tpu.vector_load %arg9[%swap3A_117] {strides = array<i32>} : memref<2048xf32, #tpu.memory_space<vmem>>, vector<16xf32>,
      tpu.vector_store %arg9[%swap3A_117], %get3A_114 {strides = array<i32>} : memref<2048xf32, #tpu.memory_space<vmem>>, vector<16xf32>,
      %scan3A_119 = arith.constant 0 : i32
      scf.yield %scan3A_119 : i32
    }
    %scan3A_106 = arith.constant 128 : i32
    %mul3A_107 = arith.constant 2048 : i32
    %mul3A_108 = arith.muli %add3A, %mul3A_107 : i32
    "tpu.region"() ({
      %run_scoped3A = tpu.sem_alloc : memref<!tpu.dma_semaphore, #tpu.memory_space<semaphore_mem>>
      %dma_start3A_109 = tpu.memref_slice %arg4[%mul3A_108] : memref<65536xf32, #tpu.memory_space<hbm>> -> memref<2048xf32, #tpu.memory_space<hbm>>
      %dma_start3A_110 = tpu.memref_slice %arg4[%mul3A_108] : memref<65536xf32, #tpu.memory_space<hbm>> -> memref<2048xf32, #tpu.memory_space<hbm>>
      tpu.enqueue_dma source(%arg9 : memref<2048xf32, #tpu.memory_space<vmem>>) target(%dma_start3A_110 : memref<2048xf32, #tpu.memory_space<hbm>>) target_semaphore(%run_scoped3A : memref<!tpu.dma_semaphore, #tpu.memory_space<semaphore_mem>>)
      %dma_wait3A_111 = tpu.memref_slice %arg4[%mul3A_108] : memref<65536xf32, #tpu.memory_space<hbm>> -> memref<2048xf32, #tpu.memory_space<hbm>>
      %dma_wait3A_112 = tpu.memref_slice %arg4[%mul3A_108] : memref<65536xf32, #tpu.memory_space<hbm>> -> memref<2048xf32, #tpu.memory_space<hbm>>
      tpu.wait_dma2 semaphore(%run_scoped3A : memref<!tpu.dma_semaphore, #tpu.memory_space<semaphore_mem>>) src(%arg9 : memref<2048xf32, #tpu.memory_space<vmem>>) dst(%dma_wait3A_112 : memref<2048xf32, #tpu.memory_space<hbm>>)
      tpu.yield
    }) : () -> ()
    return
  }
}

module attributes {stable_mosaic.version = 14 : i64} {
  func.func @_fq_body(%arg0: i32, %arg1: memref<3xf32, #tpu.memory_space<smem>>, %arg2: memref<256x8192xf32, #tpu.memory_space<vmem>>, %arg3: memref<256x8192xf32, #tpu.memory_space<vmem>>) attributes {dimension_semantics = [#tpu.dimension_semantics<arbitrary>], iteration_bounds = array<i64: 16>, scalar_prefetch = 0 : i64, scratch_operands = 0 : i64, tpu.core_type = #tpu.core_type<tc>, window_params = [{transform_indices = @transform_0, window_bounds = array<i64: 3>}, {transform_indices = @transform_1, window_bounds = array<i64: 256, 8192>}, {transform_indices = @transform_2, window_bounds = array<i64: 256, 8192>}]} {
    %get3A = arith.constant 0 : index
    %get3A_0 = memref.load %arg1[%get3A] : memref<3xf32, #tpu.memory_space<smem>>
    %get3A_1 = arith.constant 1 : index
    %get3A_2 = memref.load %arg1[%get3A_1] : memref<3xf32, #tpu.memory_space<smem>>
    %get3A_3 = arith.constant 2 : index
    %get3A_4 = memref.load %arg1[%get3A_3] : memref<3xf32, #tpu.memory_space<smem>>
    %get3A_5 = arith.constant 0 : index
    %get3A_6 = arith.constant 0 : index
    %get3A_7 = vector.load %arg2[%get3A_5, %get3A_6] : memref<256x8192xf32, #tpu.memory_space<vmem>>, vector<256x8192xf32>
    %mul3A = vector.broadcast %get3A_2 : f32 to vector<256x8192xf32>
    %mul3A_8 = arith.mulf %get3A_7, %mul3A : vector<256x8192xf32>
    %round3A = math.roundeven %mul3A_8 : vector<256x8192xf32>
    %add3A = vector.broadcast %get3A_4 : f32 to vector<256x8192xf32>
    %add3A_9 = arith.addf %round3A, %add3A : vector<256x8192xf32>
    %jit3A = arith.constant 0.000000e+00 : f32
    %jit3A_10 = arith.constant 2.550000e+02 : f32
    %max3A = vector.broadcast %jit3A : f32 to vector<256x8192xf32>
    %max3A_11 = arith.maximumf %max3A, %add3A_9 : vector<256x8192xf32>
    %min3A = vector.broadcast %jit3A_10 : f32 to vector<256x8192xf32>
    %min3A_12 = arith.minimumf %min3A, %max3A_11 : vector<256x8192xf32>
    %sub3A = vector.broadcast %get3A_4 : f32 to vector<256x8192xf32>
    %sub3A_13 = arith.subf %min3A_12, %sub3A : vector<256x8192xf32>
    %mul3A_14 = vector.broadcast %get3A_0 : f32 to vector<256x8192xf32>
    %mul3A_15 = arith.mulf %sub3A_13, %mul3A_14 : vector<256x8192xf32>
    %swap3A = arith.constant 0 : index
    %swap3A_16 = arith.constant 0 : index
    %swap3A_17 = vector.load %arg3[%swap3A, %swap3A_16] : memref<256x8192xf32, #tpu.memory_space<vmem>>, vector<256x8192xf32>
    tpu.vector_store %arg3[%swap3A, %swap3A_16], %mul3A_15 {strides = array<i32>} : memref<256x8192xf32, #tpu.memory_space<vmem>>, vector<256x8192xf32>,
    return
  }
  func.func @transform_0(%arg0: i32) -> i32 {
    %c0_i32 = arith.constant 0 : i32
    %c0_i32_0 = arith.constant 0 : i32
    return %c0_i32 : i32
  }
  func.func @transform_1(%arg0: i32) -> (i32, i32) {
    %c0_i32 = arith.constant 0 : i32
    %c0_i32_0 = arith.constant 0 : i32
    return %arg0, %c0_i32 : i32, i32
  }
  func.func @transform_2(%arg0: i32) -> (i32, i32) {
    %c0_i32 = arith.constant 0 : i32
    %c0_i32_0 = arith.constant 0 : i32
    return %arg0, %c0_i32 : i32, i32
  }
}

module attributes {stable_mosaic.version = 14 : i64} {
  func.func @_minmax_body(%arg0: i32, %arg1: memref<256x8192xf32, #tpu.memory_space<vmem>>, %arg2: memref<1x1xf32, #tpu.memory_space<smem>>, %arg3: memref<1x1xf32, #tpu.memory_space<smem>>) attributes {dimension_semantics = [#tpu.dimension_semantics<arbitrary>], iteration_bounds = array<i64: 16>, scalar_prefetch = 0 : i64, scratch_operands = 0 : i64, tpu.core_type = #tpu.core_type<tc>, window_params = [{transform_indices = @transform_0, window_bounds = array<i64: 256, 8192>}, {transform_indices = @transform_1, window_bounds = array<i64: 1, 1>}, {transform_indices = @transform_2, window_bounds = array<i64: 1, 1>}]} {
    %get3A = arith.constant 0 : index
    %get3A_0 = arith.constant 0 : index
    %get3A_1 = vector.load %arg1[%get3A, %get3A_0] : memref<256x8192xf32, #tpu.memory_space<vmem>>, vector<256x8192xf32>
    %reduce_min3A = vector.shape_cast %get3A_1 : vector<256x8192xf32> to vector<1x256x8192xf32>
    %reduce_min3A_2 = arith.constant dense<0x7F800000> : vector<1xf32>
    %reduce_min3A_3 = vector.multi_reduction <minimumf>, %reduce_min3A, %reduce_min3A_2 [1, 2] : vector<1x256x8192xf32> to vector<1xf32>
    %reduce_min3A_4 = vector.shape_cast %reduce_min3A_3 : vector<1xf32> to vector<1x1x1xf32>
    %reduce_min3A_5 = vector.extract %reduce_min3A_4[0, 0, 0] : f32 from vector<1x1x1xf32>
    %get3A_6 = arith.constant 0 : index
    %get3A_7 = arith.constant 0 : index
    %get3A_8 = vector.load %arg1[%get3A_6, %get3A_7] : memref<256x8192xf32, #tpu.memory_space<vmem>>, vector<256x8192xf32>
    %reduce_max3A = vector.shape_cast %get3A_8 : vector<256x8192xf32> to vector<1x256x8192xf32>
    %reduce_max3A_9 = arith.constant dense<0xFF800000> : vector<1xf32>
    %reduce_max3A_10 = vector.multi_reduction <maximumf>, %reduce_max3A, %reduce_max3A_9 [1, 2] : vector<1x256x8192xf32> to vector<1xf32>
    %reduce_max3A_11 = vector.shape_cast %reduce_max3A_10 : vector<1xf32> to vector<1x1x1xf32>
    %reduce_max3A_12 = vector.extract %reduce_max3A_11[0, 0, 0] : f32 from vector<1x1x1xf32>
    %eq3A = arith.constant 0 : i32
    %eq3A_13 = arith.cmpi eq, %arg0, %eq3A : i32
    %convert_element_type3A = arith.extui %eq3A_13 : i1 to i32
    %cond3A = arith.constant 0 : i32
    %cond3A_14 = arith.cmpi ne, %convert_element_type3A, %cond3A : i32
    scf.if %cond3A_14 {
      %swap3A = arith.constant 0 : index
      %swap3A_19 = arith.constant 0 : index
      %swap3A_20 = memref.load %arg2[%swap3A, %swap3A_19] : memref<1x1xf32, #tpu.memory_space<smem>>
      memref.store %reduce_min3A_5, %arg2[%swap3A, %swap3A_19] : memref<1x1xf32, #tpu.memory_space<smem>>
      %swap3A_21 = arith.constant 0 : index
      %swap3A_22 = arith.constant 0 : index
      %swap3A_23 = memref.load %arg3[%swap3A_21, %swap3A_22] : memref<1x1xf32, #tpu.memory_space<smem>>
      memref.store %reduce_max3A_12, %arg3[%swap3A_21, %swap3A_22] : memref<1x1xf32, #tpu.memory_space<smem>>
    } else {
    }
    %ne3A = arith.constant 0 : i32
    %ne3A_15 = arith.cmpi ne, %arg0, %ne3A : i32
    %convert_element_type3A_16 = arith.extui %ne3A_15 : i1 to i32
    %cond3A_17 = arith.constant 0 : i32
    %cond3A_18 = arith.cmpi ne, %convert_element_type3A_16, %cond3A_17 : i32
    scf.if %cond3A_18 {
      %get3A_19 = arith.constant 0 : index
      %get3A_20 = arith.constant 0 : index
      %get3A_21 = memref.load %arg2[%get3A_19, %get3A_20] : memref<1x1xf32, #tpu.memory_space<smem>>
      %min3A = arith.minimumf %get3A_21, %reduce_min3A_5 : f32
      %swap3A = arith.constant 0 : index
      %swap3A_22 = arith.constant 0 : index
      %swap3A_23 = memref.load %arg2[%swap3A, %swap3A_22] : memref<1x1xf32, #tpu.memory_space<smem>>
      memref.store %min3A, %arg2[%swap3A, %swap3A_22] : memref<1x1xf32, #tpu.memory_space<smem>>
      %get3A_24 = arith.constant 0 : index
      %get3A_25 = arith.constant 0 : index
      %get3A_26 = memref.load %arg3[%get3A_24, %get3A_25] : memref<1x1xf32, #tpu.memory_space<smem>>
      %max3A = arith.maximumf %get3A_26, %reduce_max3A_12 : f32
      %swap3A_27 = arith.constant 0 : index
      %swap3A_28 = arith.constant 0 : index
      %swap3A_29 = memref.load %arg3[%swap3A_27, %swap3A_28] : memref<1x1xf32, #tpu.memory_space<smem>>
      memref.store %max3A, %arg3[%swap3A_27, %swap3A_28] : memref<1x1xf32, #tpu.memory_space<smem>>
    } else {
    }
    return
  }
  func.func @transform_0(%arg0: i32) -> (i32, i32) {
    %c0_i32 = arith.constant 0 : i32
    %c0_i32_0 = arith.constant 0 : i32
    return %arg0, %c0_i32 : i32, i32
  }
  func.func @transform_1(%arg0: i32) -> (i32, i32) {
    %c0_i32 = arith.constant 0 : i32
    %c0_i32_0 = arith.constant 0 : i32
    %c0_i32_1 = arith.constant 0 : i32
    return %c0_i32, %c0_i32_0 : i32, i32
  }
  func.func @transform_2(%arg0: i32) -> (i32, i32) {
    %c0_i32 = arith.constant 0 : i32
    %c0_i32_0 = arith.constant 0 : i32
    %c0_i32_1 = arith.constant 0 : i32
    return %c0_i32, %c0_i32_0 : i32, i32
  }
}

module attributes {stable_mosaic.version = 14 : i64} {
  func.func @_merge_body(%arg0: memref<32x2048xf32, #tpu.memory_space<vmem>>, %arg1: memref<2048xf32, #tpu.memory_space<vmem>>) attributes {dimension_semantics = [], scalar_prefetch = 0 : i64, scratch_operands = 0 : i64, tpu.core_type = #tpu.core_type<tc>} {
    %get3A = arith.constant 0 : index
    %get3A_0 = arith.constant 0 : index
    %get3A_1 = vector.load %arg0[%get3A, %get3A_0] : memref<32x2048xf32, #tpu.memory_space<vmem>>, vector<32x2048xf32>
    %reduce_sum3A = arith.constant dense<0.000000e+00> : vector<2048xf32>
    %reduce_sum3A_2 = vector.multi_reduction <add>, %get3A_1, %reduce_sum3A [0] : vector<32x2048xf32> to vector<2048xf32>
    %swap3A = arith.constant 0 : index
    %swap3A_3 = vector.load %arg1[%swap3A] : memref<2048xf32, #tpu.memory_space<vmem>>, vector<2048xf32>
    tpu.vector_store %arg1[%swap3A], %reduce_sum3A_2 {strides = array<i32>} : memref<2048xf32, #tpu.memory_space<vmem>>, vector<2048xf32>,
    return
  }
}

</mosaic_0001>

<sc_bundles>
// kernel: kernel.6.cloned.1.call-start
scs
__scs_entry_jumppad:
0x0: {  	(pc) =	sbr.rel $0x88, $3  }
0x1: {  	(tag) =	ssettag $0x0;
	lr =	simm.s32 $0x1  }
0x2: {  	[smem:$0x3FA0] =	sst lr;
	_ =	strace $0xD0000000  }
0x3: {  	_ = 	snop  }
0x4: {  	_ = 	snop  }
0x5: {  	_ = 	snop  }
0x6: {  	_ = 	snop  }
0x7: {  	_ = 	snop  }
__scs_overlays_trampoline_lowered:
0x8: {  	[smem:$0x3FAF] =	sst s0  }
0x9: {  	[smem:$0x3FB0] =	sst s1  }
0xa: {  	[smem:$0x3FB1] =	sst s2  }
0xb: {  	[smem:$0x3FB2] =	sst s3  }
0xc: {  	[smem:$0x3FB3] =	sst s4  }
0xd: {  	[smem:$0x3FB4] =	sst s5  }
0xe: {  	[smem:$0x3FB5] =	sst s6  }
0xf: {  	[smem:$0x3FB6] =	sst s7  }
0x10: {  	[smem:$0x3FB7] =	sst s8  }
0x11: {  	[smem:$0x3FB8] =	sst s9;
	s0 =	simm.s32 @!p0 $0x0  }
0x12: {  	s1 =	sld [smem:$0x3F9E];
	s0 =	simm.s32 @p0 $0x1  }
0x13: {  	[smem:$0x3FB9] =	sst s0;
	s0 =	simm.s32 @!p1 $0x0  }
0x14: {  	s2 =	sld [smem:$0x3F9D];
	s0 =	simm.s32 @p1 $0x1  }
0x15: {  	[smem:$0x3FBA] =	sst s0;
	s0 =	simm.s32 @!p2 $0x0  }
0x16: {  	s3 =	sld [smem:$0x3FDB];
	s0 =	simm.s32 @p2 $0x1  }
0x17: {  	s4 =	simm.s32 $0x1BF5;
	[smem:$0x3FBC] =	sst s0  }
0x18: {  	s0 =	sld [smem:$0x3F9F];
	_ =	swait.ge [sflag:s4], $0x0  }
0x19: {  	s7 =	sld [smem:$0x3FA0]  }
0x1a: {  	s8 =	sadd.s32 $0xFFFFE003, lr  }
0x1b: {  	s9 =	sadd.s32 $0xFFFFFEF7, lr;
	s5 =	simm.s32 $0xFFFFFFFF;
	p2 =	slt.u32 s8, $0xFFFFF086  }
0x1c: {  	p1 =	slt.u32 s9, $0xF7A;
	s5 =	simm.s32 @!p2 $0x0  }
0x1d: {  	s5 =	simm.s32 @p1 $0x1;
	p0 =	seq.s32 s7, s2  }
0x1e: {  	s7 =	smul.u32 @!p0 $0xF7A, s2;
	p2 =	seq.s32 @!p0 s5, $0x0  }
0x1f: {  	s9 =	smul.u32 $0xF7A, s1;
	s8 =	simm.s32 @!p0 $0x1BF5;
	p2 =	por !p2, p0  }
0x20: {  	[sflag:s8] =	ssyncset.s32 @!p0 $0xFFFFF086;
	s6 =	sadd.s32 @!p0 s3, s7;
	s7 =	simm.s32 @!p0 $0x108  }
0x21: {  	s3 =	sadd.s32 s3, s9;
	s6 =	sadd.s32 @!p0 $0x88, s6;
	s7 =	simm.s32 @p2 $0x1082  }
0x22: {  	[simem:s7], [sflag:s8] =	dma.local @!p0 [hbm:s6], $0xF7A  }
0x23: {  	s9 =	sor.u32 $0xD0000000, s2;
	s6 =	simm.s32 $0x108;
	_ =	swait.ge @!p0 [sflag:s8], $0x0  }
0x24: {  	s3 =	sadd.s32 $0x88, s3;
	s6 =	simm.s32 @!p1 $0x1082;
	[sflag:s4] =	ssyncset.s32 $0xFFFFF086  }
0x25: {  	[simem:s6], [sflag:s4] =	dma.local [hbm:s3], $0xF7A  }
0x26: {  	[smem:$0x3FA0] =	sst s1;
	(tag) =	ssettag s2;
	_ =	strace s9  }
0x27: {  	s1 =	sld [smem:$0x3FB0]  }
0x28: {  	s2 =	sld [smem:$0x3FB1]  }
0x29: {  	s4 =	sld [smem:$0x3FB3]  }
0x2a: {  	p0 =	seq.s32 s5, $0x0;
	s5 =	sld [smem:$0x3FB4]  }
0x2b: {  	s6 =	sld [smem:$0x3FB5]  }
0x2c: {  	s7 =	sld [smem:$0x3FB6]  }
0x2d: {  	s3 =	simm.s32 $0x108;
	s8 =	sld [smem:$0x3FB7]  }
0x2e: {  	s3 =	simm.s32 @!p0 $0x1082;
	s9 =	sld [smem:$0x3FB8]  }
0x2f: {  	lr =	sadd.s32 s0, s3;
	s0 =	sld [smem:$0x3FAF]  }
0x30: {  	s3 =	sld [smem:$0x3FB2]  }
0x31: {  	[smem:$0x3FBB] =	sst s10  }
0x32: {  	s10 =	sld [smem:$0x3FB9];
	_ =	sdelay $0x3  }
0x33: {  	p0 =	seq.s32 s10, $0x1;
	s10 =	sld [smem:$0x3FBB];
	_ =	sdelay $0x3  }
0x34: {  	[smem:$0x3FBB] =	sst s10  }
0x35: {  	s10 =	sld [smem:$0x3FBA];
	_ =	sdelay $0x3  }
0x36: {  	p1 =	seq.s32 s10, $0x1;
	s10 =	sld [smem:$0x3FBB];
	_ =	sdelay $0x3  }
0x37: {  	[smem:$0x3FBB] =	sst s10  }
0x38: {  	s10 =	sld [smem:$0x3FBC]  }
0x39: {  	_ = 	snop;
	(pc) =	sbr.ind lr, $3  }
0x3a: {  	_ = 	snop  }
0x3b: {  	_ = 	snop  }
0x3c: {  	p2 =	seq.s32 s10, $0x1;
	s10 =	sld [smem:$0x3FBB]  }
0x3d: {  	_ =	shalt  }
0x3e: {  	_ =	shalt  }
0x3f: {  	_ =	shalt  }
0x40: {  	_ =	shalt  }
0x41: {  	_ =	shalt  }
0x42: {  	_ =	shalt  }
0x43: {  	_ =	shalt  }
0x44: {  	_ =	shalt  }
0x45: {  	_ =	shalt  }
0x46: {  	_ =	shalt  }
0x47: {  	_ =	shalt  }
0x48: {  	_ =	shalt  }
0x49: {  	_ =	shalt  }
0x4a: {  	_ =	shalt  }
0x4b: {  	_ =	shalt  }
0x4c: {  	_ =	shalt  }
0x4d: {  	_ =	shalt  }
0x4e: {  	_ =	shalt  }
0x4f: {  	_ =	shalt  }
0x50: {  	_ =	shalt  }
0x51: {  	_ =	shalt  }
0x52: {  	_ =	shalt  }
0x53: {  	_ =	shalt  }
0x54: {  	_ =	shalt  }
0x55: {  	_ =	shalt  }
0x56: {  	_ =	shalt  }
0x57: {  	_ =	shalt  }
0x58: {  	_ =	shalt  }
0x59: {  	_ =	shalt  }
0x5a: {  	_ =	shalt  }
0x5b: {  	_ =	shalt  }
0x5c: {  	_ =	shalt  }
0x5d: {  	_ =	shalt  }
0x5e: {  	_ =	shalt  }
0x5f: {  	_ =	shalt  }
0x60: {  	_ =	shalt  }
0x61: {  	_ =	shalt  }
0x62: {  	_ =	shalt  }
0x63: {  	_ =	shalt  }
0x64: {  	_ =	shalt  }
0x65: {  	_ =	shalt  }
0x66: {  	_ =	shalt  }
0x67: {  	_ =	shalt  }
0x68: {  	_ =	shalt  }
0x69: {  	_ =	shalt  }
0x6a: {  	_ =	shalt  }
0x6b: {  	_ =	shalt  }
0x6c: {  	_ =	shalt  }
0x6d: {  	_ =	shalt  }
0x6e: {  	_ =	shalt  }
0x6f: {  	_ =	shalt  }
0x70: {  	_ =	shalt  }
0x71: {  	_ =	shalt  }
0x72: {  	_ =	shalt  }
0x73: {  	_ =	shalt  }
0x74: {  	_ =	shalt  }
0x75: {  	_ =	shalt  }
0x76: {  	_ =	shalt  }
0x77: {  	_ =	shalt  }
0x78: {  	_ =	shalt  }
0x79: {  	_ =	shalt  }
0x7a: {  	_ =	shalt  }
0x7b: {  	_ =	shalt  }
0x7c: {  	_ =	shalt  }
0x7d: {  	_ =	shalt  }
0x7e: {  	_ =	shalt  }
0x7f: {  	_ =	shalt  }
0x80: {  	_ =	shalt  }
0x81: {  	_ =	shalt  }
0x82: {  	_ =	shalt  }
0x83: {  	_ =	shalt  }
0x84: {  	_ =	shalt  }
0x85: {  	_ =	shalt  }
0x86: {  	_ =	shalt  }
0x87: {  	_ =	shalt  }
.Lfunc_end0:
.L_simem_size_0:
called_computation.1_lowered:
.L_overlay_start_0:
0x88: {  	s2 =	sld [smem:$0x3FD9]  }
0x89: {  	s3 =	sld [smem:$0x3FFE];
	_ =	sdelay $0x1  }
0x8a: {  	s1 =	srdreg.scid  }
0x8b: {  	s0 =	sand.u32 $0x1, s1  }
0x8c: {  	s17 =	sshll.u32 s0, $0xA;
	s2 =	sadd.s32 s3, s2  }
0x8d: {  	s2 =	sadd.s32 s2, s17  }
0x8e: {  	[smem:$0x3FC7] =	sst s2  }
0x8f: {  	_ = 	snop  }
0x90: {  	s2 =	sld [smem:$0x3FC9];
	(tm) =	ssettm $0x1  }
0x91: {  	s18 =	sld [smem:$0x3FFB];
	_ =	sdelay $0x3  }
0x92: {  	_ =	strace s18  }
0x93: {  	s3 =	sld [smem:$0x3FFC];
	_ =	sdelay $0x3  }
0x94: {  	_ =	strace s3  }
0x95: {  	s3 =	sld [smem:$0x3FFD];
	_ =	sdelay $0x3  }
0x96: {  	_ =	strace s3  }
0x97: {  	_ =	strace $0x8FFFFFFF  }
0x98: {  	s19 =	sld [smem:$0x3FDB];
	_ =	sdelay $0x1  }
0x99: {  	s4 =	simm.s32 $_scs_section_size  }
0x9a: {  	s5 =	simm.s32 $_size__tile_overlayer_lowered;
	s6 =	simm.s32 $_tile_overlayer_lowered  }
0x9b: {  	s22 =	simm.s32 $0x1BFF;
	s21 =	sshll.u32 s6, $0x1;
	s3 =	sadd.s32 s4, s19  }
0x9c: {  	s7 =	simm.s32 $0x0;
	s20 =	sshll.u32 s5, $0x1;
	s5 =	sadd.s32 s21, s3  }
0x9d: {  	[timem:s7], [sflag:s22] =	dma.local [hbm:s5], s20  }
0x9e: {  	_ =	swait.ge [sflag:s22], s20  }
0x9f: {  	s4 =	ssub.s32 $0x0, s20;
	[sflag:s22] =	ssyncset.done $0x0  }
0xa0: {  	[sflag:s22] =	ssyncadd.s32 s4;
	_ =	sdelay $0x1  }
0xa1: {  	s23 =	simm.s32 $0x1B8B  }
0xa2: {  	_ =	swait.ge [sflag:s23], $0x1  }
0xa3: {  	[sflag:s23] =	ssyncset.done $0x0  }
0xa4: {  	s25 =	simm.s32 $0x1B8E;
	s24 =	sld [smem:$0x3FFE];
	[sflag:s23] =	ssyncadd.s32 $0xFFFFFFFF  }
0xa5: {  	s26 =	simm.s32 $execute0_lowered;
	[smem:$0x3FD2] =	sst s25  }
0xa6: {  	s5 =	sshll.u32 s26, $0x1;
	_ =	strace $0x80000046;
	[dreg:$0x1] =	wrdreg $0xFFFFFFFF  }
0xa7: {  	s28 =	simm.s32 $_size_execute0_lowered;
	s3 =	sadd.s32 s3, s5;
	[dreg:$0x0] =	wrdreg $0x0  }
0xa8: {  	s5 =	sshll.u32 s28, $0x1;
	[dreg:$0x2] =	wrdreg s3  }
0xa9: {  	[dreg:$0x3] =	wrdreg s5  }
0xaa: {  	[dreg:$0x4] =	wrdreg $0xC0  }
0xab: {  	_ =	task [dreg:s7], $0x5FFFF  }
0xac: {  	[dreg:$0x1] =	wrdreg $0xFFFFFFFF  }
0xad: {  	[dreg:$0x0] =	wrdreg $0x60  }
0xae: {  	[dreg:$0x2] =	wrdreg s2  }
0xaf: {  	[dreg:$0x3] =	wrdreg s24  }
0xb0: {  	[dreg:$0x4] =	wrdreg $0xA  }
0xb1: {  	_ =	task.clear_ibuf [dreg:s7], $0x5FFFF;
	_ =	strace $0x90000046  }
0xb2: {  	s29 =	simm.s32 $0xA;
	_ =	strace $0x80000048  }
0xb3: {  	_ =	swait.ge [sflag:s29], $0x1  }
0xb4: {  	[sflag:s29] =	ssyncadd.s32 $0xFFFFFFFF  }
0xb5: {  	_ =	strace $0x90000048  }
0xb6: {  	_ =	sfence  }
0xb7: {  	s30 =	sld [smem:$0x0];
	_ =	sdelay $0x2  }
0xb8: {  	s31 =	sshll.u32 s1, $0xD;
	s1 =	sshrl.u32 s1, $0x2  }
0xb9: {  	s3 =	sand.u32 $0x4000, s31;
	s1 =	sadd.s32 s1, s30  }
0xba: {  	s0 =	sor.u32 s3, s0;
	s1 =	sshll.u32 s1, $0x11  }
0xbb: {  	s0 =	sor.u32 s1, s0  }
0xbc: {  	s0 =	sadd.s32 $0x8F2B, s0  }
0xbd: {  	[sflag:s0] =	ssyncadd.remote.s32 $0x1  }
0xbe: {  	_ =	sfence.sel $0xFFFF  }
0xbf: {  	[dreg:$0x0] =	wrdreg $0xFFFFFFFF;
	(pc) =	sbr.abs _section_cstart, $3  }
0xc0: {  	[dreg:$0x1] =	wrdreg $0xFFFFFFFF  }
0xc1: {  	_ =	task.clear_ibuf [dreg:s7], $0x2FFFF;
	_ =	strace $0x9FFFFFFF  }
0xc2: {  	(tm) =	ssettm $0x7FFFFFFF  }
0xc3: {  	_ =	shalt  }
tec
execute0_lowered:
.L_overlay_start_1:
0x0: {  	(tag) =	ssettag $0x1  }
0x1: {  	s1 =	rddreg [dreg:$0x0]  }
0x2: {  	s5 =	rddreg [dreg:$0x1];
	s2 =	srdreg.scid  }
0x3: {  	s0 =	rddreg [dreg:$0x2];
	s3 =	simm.s32 $0x0;
	s12 =	simm.s32 $0x3  }
0x4: {  	s13 =	simm.s32 $0x2000;
	s14 =	simm.s32 $0x1;
	s15 =	simm.s32 $0x4080  }
0x5: {  	s16 =	simm.s32 $0x2;
	s17 =	simm.s32 $0xC200;
	s18 =	simm.s32 $0x0  }
0x6: {  	s6 =	sand.u32 $0x1, s2;
	[smem:$0x7FF] =	sst s3;
	s2 =	stileid.u32  }
0x7: {  	s4 =	sadd.s32 $0xA00, s5;
	s7 =	sshll.u32 s6, $0x4;
	s6 =	ssub.s32 $0x2, s6  }
0x8: {  	_ =	strace $0x80000047;
	s7 =	sor.u32 s2, s7;
	s30 =	sshrl.u32 s6, $0x1  }
0x9: {  	v0 =	vlaneseq.u32;
	s8 =	sshll.u32 s7, $0x8;
	s9 =	sshll.u32 s7, $0x11;
	s11 =	ssub.s32 s6, s30  }
0xa: {  	v0 =	vmul.u32 $0x811, v0;
	s31 =	sshll.u32 s7, $0x14;
	s10 =	sadd.s32 s8, s5;
	s5 =	sadd.s32 s1, s9  }
0xb: {  	v1 =	vimm.f32 $0.0e+00;
	s7 =	sor.u32 $0x4000, s31;
	s8 =	sor.u32 $0x6000, s31;
	s6 =	sadd.s32 $0x400, s5  }
0xc: {  	v2 =	vimm.f32 $1.000000000e+00;
	vm0 =	vmmov $0x7fff;
	v3 =	vadd.s32 $0x800, v0;
	s9 =	sadd.s32 $0xC00, s10;
	s10 =	smax.u32 s11, $0x1;
	s11 =	simm.s32 $0x4000  }
.LBB2_1:
0xd: {  	[tilespmem:s11], [sflag:$0x3] =	stream.linear.gather [hbm4b:s4+s3], $0x80, $0x38;
	[tilespmem:$0xCA00] =	vst v63  }
0xe: {  	_ =	swait.ge [sflag:s12], $0x80  }
0xf: {  	[sflag:s12] =	ssyncset.done $0x0  }
0x10: {  	[sflag:s12] =	ssyncadd.s32 $0xFFFFFF80  }
0x11: {  	v4 =	vld [tilespmem:$0x4000]  }
0x12: {  	s19 =	simm.s32 $0x40;
	s20 =	simm.s32 $0x0;
	v5 =	vld [tilespmem:$0x4010]  }
.LBB2_2:
0x13: {  	p0 =	sne.s32 s19, $0x20400;
	[tilespmem:s20+$0x4080] =	vst v1;
	s20 =	smov.u32 s19;
	s19 =	sadd.s32 $0x40, s19  }
.Ltmp0:
0x14: {  	(pc) =	sbr.rel @p0 .LBB2_2-.Ltmp0, $2  }
0x15: {  	_ =	sdelay $0x2  }
0x16: {  	s20 =	sshra.s32 s20, $0x2  }
0x17: {  	[tilespmem:s20+$0x4080] =	vst v1;
	s19 =	simm.s32 $0x0  }
0x18: {  	[tilespmem:s19], [sflag:$0x1] =	stream.linear.gather [hbm4b:s5+s19], $0x2000, $0x38;
	[tilespmem:$0xCA00] =	vst v63  }
0x19: {  	_ = 	snop  }
0x1a: {  	[tilespmem:s13], [sflag:$0x2] =	stream.linear.gather [hbm4b:s6+s19], $0x2000, $0x38;
	[tilespmem:$0xCA00] =	vst v63  }
.LBB2_4:
0x1b: {  	_ =	swait.ge [sflag:s14], $0x2000  }
0x1c: {  	[sflag:s14] =	ssyncset.done $0x0  }
0x1d: {  	s20 =	simm.s32 $0x0;
	[sflag:s14] =	ssyncadd.s32 $0xFFFFE000  }
.LBB2_5:
0x1e: {  	s21 =	sshra.s32 s20, $0x2  }
0x1f: {  	v6 =	vld [tilespmem:s21+$0x0];
	_ =	sdelay $0x4  }
0x20: {  	v6 =	vsub.f32 v6, v4;
	_ =	sdelay $0x1  }
0x21: {  	v6 =	vmul.f32 v6, v5;
	_ =	sdelay $0x1  }
0x22: {  	v6 =	vtrunc.f32 v6  }
0x23: {  	v6 =	vcvt.f32.s32 v6;
	_ =	sdelay $0x1  }
0x24: {  	vm1 =	vlt.s32 v6, $0x7FF  }
0x25: {  	v6 =	vnsel vm1, $0x7FF, v6  }
0x26: {  	v6 =	vadd.s32 v0, v6;
	_ =	sdelay $0x4  }
0x27: {  	[tilespmem:v6+s15+$0x0] =	vst.idx.add.f32.msk $0xffff, v2  }
0x28: {  	v6 =	vld [tilespmem:s21+$0x10];
	_ =	sdelay $0x4  }
0x29: {  	v6 =	vsub.f32 v6, v4;
	_ =	sdelay $0x1  }
0x2a: {  	v6 =	vmul.f32 v6, v5;
	_ =	sdelay $0x1  }
0x2b: {  	v6 =	vtrunc.f32 v6  }
0x2c: {  	v6 =	vcvt.f32.s32 v6;
	_ =	sdelay $0x1  }
0x2d: {  	vm1 =	vlt.s32 v6, $0x7FF  }
0x2e: {  	v6 =	vnsel vm1, $0x7FF, v6  }
0x2f: {  	v6 =	vadd.s32 v0, v6;
	_ =	sdelay $0x4  }
0x30: {  	[tilespmem:v6+s15+$0x0] =	vst.idx.add.f32.msk $0xffff, v2  }
0x31: {  	v6 =	vld [tilespmem:s21+$0x20];
	_ =	sdelay $0x4  }
0x32: {  	v6 =	vsub.f32 v6, v4;
	_ =	sdelay $0x1  }
0x33: {  	v6 =	vmul.f32 v6, v5;
	_ =	sdelay $0x1  }
0x34: {  	v6 =	vtrunc.f32 v6  }
0x35: {  	v6 =	vcvt.f32.s32 v6;
	_ =	sdelay $0x1  }
0x36: {  	vm1 =	vlt.s32 v6, $0x7FF  }
0x37: {  	v6 =	vnsel vm1, $0x7FF, v6  }
0x38: {  	v6 =	vadd.s32 v0, v6;
	_ =	sdelay $0x4  }
0x39: {  	[tilespmem:v6+s15+$0x0] =	vst.idx.add.f32.msk $0xffff, v2  }
0x3a: {  	v6 =	vld [tilespmem:s21+$0x30];
	_ =	sdelay $0x4  }
0x3b: {  	v6 =	vsub.f32 v6, v4;
	_ =	sdelay $0x1  }
0x3c: {  	v6 =	vmul.f32 v6, v5;
	_ =	sdelay $0x1  }
0x3d: {  	v6 =	vtrunc.f32 v6  }
0x3e: {  	v6 =	vcvt.f32.s32 v6;
	_ =	sdelay $0x1  }
0x3f: {  	vm1 =	vlt.s32 v6, $0x7FF  }
0x40: {  	v6 =	vnsel vm1, $0x7FF, v6  }
0x41: {  	p0 =	sne.s32 s20, $0x7F00;
	v6 =	vadd.s32 v0, v6  }
.Ltmp1:
0x42: {  	_ = 	snop;
	(pc) =	sbr.rel @p0 .LBB2_5-.Ltmp1, $2  }
0x43: {  	_ =	sdelay $0x2  }
0x44: {  	s20 =	sadd.s32 $0x100, s20;
	[tilespmem:v6+s15+$0x0] =	vst.idx.add.f32.msk $0xffff, v2  }
0x45: {  	s20 =	sshll.u32 s19, $0xE  }
0x46: {  	s21 =	sadd.s32 s20, s7  }
0x47: {  	s21 =	sshrl.u32 s21, $0x3  }
0x48: {  	s22 =	sadd.s32 s1, s21;
	s21 =	simm.s32 $0x0  }
0x49: {  	[tilespmem:s21], [sflag:$0x1] =	stream.linear.gather [hbm4b:s22+s21], $0x2000, $0x38;
	[tilespmem:$0xCA00] =	vst v63  }
0x4a: {  	_ =	swait.ge [sflag:s16], $0x2000  }
0x4b: {  	[sflag:s16] =	ssyncset.done $0x0  }
0x4c: {  	[sflag:s16] =	ssyncadd.s32 $0xFFFFE000  }
.LBB2_7:
0x4d: {  	s22 =	sshra.s32 s21, $0x2  }
0x4e: {  	v6 =	vld [tilespmem:s22+$0x2000];
	_ =	sdelay $0x4  }
0x4f: {  	v6 =	vsub.f32 v6, v4;
	_ =	sdelay $0x1  }
0x50: {  	v6 =	vmul.f32 v6, v5;
	_ =	sdelay $0x1  }
0x51: {  	v6 =	vtrunc.f32 v6  }
0x52: {  	v6 =	vcvt.f32.s32 v6;
	_ =	sdelay $0x1  }
0x53: {  	vm1 =	vlt.s32 v6, $0x7FF  }
0x54: {  	v6 =	vnsel vm1, $0x7FF, v6  }
0x55: {  	v6 =	vadd.s32 v0, v6;
	_ =	sdelay $0x4  }
0x56: {  	[tilespmem:v6+s15+$0x0] =	vst.idx.add.f32.msk $0xffff, v2  }
0x57: {  	v6 =	vld [tilespmem:s22+$0x2010];
	_ =	sdelay $0x4  }
0x58: {  	v6 =	vsub.f32 v6, v4;
	_ =	sdelay $0x1  }
0x59: {  	v6 =	vmul.f32 v6, v5;
	_ =	sdelay $0x1  }
0x5a: {  	v6 =	vtrunc.f32 v6  }
0x5b: {  	v6 =	vcvt.f32.s32 v6;
	_ =	sdelay $0x1  }
0x5c: {  	vm1 =	vlt.s32 v6, $0x7FF  }
0x5d: {  	v6 =	vnsel vm1, $0x7FF, v6  }
0x5e: {  	v6 =	vadd.s32 v0, v6;
	_ =	sdelay $0x4  }
0x5f: {  	[tilespmem:v6+s15+$0x0] =	vst.idx.add.f32.msk $0xffff, v2  }
0x60: {  	v6 =	vld [tilespmem:s22+$0x2020];
	_ =	sdelay $0x4  }
0x61: {  	v6 =	vsub.f32 v6, v4;
	_ =	sdelay $0x1  }
0x62: {  	v6 =	vmul.f32 v6, v5;
	_ =	sdelay $0x1  }
0x63: {  	v6 =	vtrunc.f32 v6  }
0x64: {  	v6 =	vcvt.f32.s32 v6;
	_ =	sdelay $0x1  }
0x65: {  	vm1 =	vlt.s32 v6, $0x7FF  }
0x66: {  	v6 =	vnsel vm1, $0x7FF, v6  }
0x67: {  	v6 =	vadd.s32 v0, v6;
	_ =	sdelay $0x4  }
0x68: {  	[tilespmem:v6+s15+$0x0] =	vst.idx.add.f32.msk $0xffff, v2  }
0x69: {  	v6 =	vld [tilespmem:s22+$0x2030];
	_ =	sdelay $0x4  }
0x6a: {  	v6 =	vsub.f32 v6, v4;
	_ =	sdelay $0x1  }
0x6b: {  	v6 =	vmul.f32 v6, v5;
	_ =	sdelay $0x1  }
0x6c: {  	v6 =	vtrunc.f32 v6  }
0x6d: {  	v6 =	vcvt.f32.s32 v6;
	_ =	sdelay $0x1  }
0x6e: {  	vm1 =	vlt.s32 v6, $0x7FF  }
0x6f: {  	v6 =	vnsel vm1, $0x7FF, v6  }
0x70: {  	p0 =	sne.s32 s21, $0x7F00;
	v6 =	vadd.s32 v0, v6  }
.Ltmp2:
0x71: {  	_ = 	snop;
	(pc) =	sbr.rel @p0 .LBB2_7-.Ltmp2, $2  }
0x72: {  	_ =	sdelay $0x2  }
0x73: {  	s21 =	sadd.s32 $0x100, s21;
	[tilespmem:v6+s15+$0x0] =	vst.idx.add.f32.msk $0xffff, v2  }
0x74: {  	s19 =	sadd.s32 $0x1, s19  }
0x75: {  	p0 =	sne.s32 s19, $0x3F  }
.Ltmp3:
0x76: {  	_ = 	snop;
	(pc) =	sbr.rel @p0 .LBB2_4-.Ltmp3, $4  }
0x77: {  	s20 =	sadd.s32 s20, s8  }
0x78: {  	s20 =	sshrl.u32 s20, $0x3  }
0x79: {  	s20 =	sadd.s32 s1, s20  }
0x7a: {  	[tilespmem:s13], [sflag:$0x2] =	stream.linear.gather [hbm4b:s20+s3], $0x2000, $0x38;
	[tilespmem:$0xCA00] =	vst v63  }
0x7b: {  	_ =	swait.ge [sflag:s14], $0x2000  }
0x7c: {  	[sflag:s14] =	ssyncset.done $0x0  }
0x7d: {  	s19 =	simm.s32 $0x0;
	[sflag:s14] =	ssyncadd.s32 $0xFFFFE000  }
.LBB2_10:
0x7e: {  	s20 =	sshra.s32 s19, $0x2  }
0x7f: {  	v6 =	vld [tilespmem:s20+$0x0];
	_ =	sdelay $0x4  }
0x80: {  	v6 =	vsub.f32 v6, v4;
	_ =	sdelay $0x1  }
0x81: {  	v6 =	vmul.f32 v6, v5;
	_ =	sdelay $0x1  }
0x82: {  	v6 =	vtrunc.f32 v6  }
0x83: {  	v6 =	vcvt.f32.s32 v6;
	_ =	sdelay $0x1  }
0x84: {  	vm1 =	vlt.s32 v6, $0x7FF  }
0x85: {  	v6 =	vnsel vm1, $0x7FF, v6  }
0x86: {  	v6 =	vadd.s32 v0, v6;
	_ =	sdelay $0x4  }
0x87: {  	[tilespmem:v6+s15+$0x0] =	vst.idx.add.f32.msk $0xffff, v2  }
0x88: {  	v6 =	vld [tilespmem:s20+$0x10];
	_ =	sdelay $0x4  }
0x89: {  	v6 =	vsub.f32 v6, v4;
	_ =	sdelay $0x1  }
0x8a: {  	v6 =	vmul.f32 v6, v5;
	_ =	sdelay $0x1  }
0x8b: {  	v6 =	vtrunc.f32 v6  }
0x8c: {  	v6 =	vcvt.f32.s32 v6;
	_ =	sdelay $0x1  }
0x8d: {  	vm1 =	vlt.s32 v6, $0x7FF  }
0x8e: {  	v6 =	vnsel vm1, $0x7FF, v6  }
0x8f: {  	v6 =	vadd.s32 v0, v6;
	_ =	sdelay $0x4  }
0x90: {  	[tilespmem:v6+s15+$0x0] =	vst.idx.add.f32.msk $0xffff, v2  }
0x91: {  	v6 =	vld [tilespmem:s20+$0x20];
	_ =	sdelay $0x4  }
0x92: {  	v6 =	vsub.f32 v6, v4;
	_ =	sdelay $0x1  }
0x93: {  	v6 =	vmul.f32 v6, v5;
	_ =	sdelay $0x1  }
0x94: {  	v6 =	vtrunc.f32 v6  }
0x95: {  	v6 =	vcvt.f32.s32 v6;
	_ =	sdelay $0x1  }
0x96: {  	vm1 =	vlt.s32 v6, $0x7FF  }
0x97: {  	v6 =	vnsel vm1, $0x7FF, v6  }
0x98: {  	v6 =	vadd.s32 v0, v6;
	_ =	sdelay $0x4  }
0x99: {  	[tilespmem:v6+s15+$0x0] =	vst.idx.add.f32.msk $0xffff, v2  }
0x9a: {  	v6 =	vld [tilespmem:s20+$0x30];
	_ =	sdelay $0x4  }
0x9b: {  	v6 =	vsub.f32 v6, v4;
	_ =	sdelay $0x1  }
0x9c: {  	v6 =	vmul.f32 v6, v5;
	_ =	sdelay $0x1  }
0x9d: {  	v6 =	vtrunc.f32 v6  }
0x9e: {  	v6 =	vcvt.f32.s32 v6;
	_ =	sdelay $0x1  }
0x9f: {  	vm1 =	vlt.s32 v6, $0x7FF  }
0xa0: {  	v6 =	vnsel vm1, $0x7FF, v6  }
0xa1: {  	p0 =	sne.s32 s19, $0x7F00;
	v6 =	vadd.s32 v0, v6  }
.Ltmp4:
0xa2: {  	_ = 	snop;
	(pc) =	sbr.rel @p0 .LBB2_10-.Ltmp4, $2  }
0xa3: {  	_ =	sdelay $0x2  }
0xa4: {  	s19 =	sadd.s32 $0x100, s19;
	[tilespmem:v6+s15+$0x0] =	vst.idx.add.f32.msk $0xffff, v2  }
0xa5: {  	_ =	swait.ge [sflag:s16], $0x2000  }
0xa6: {  	[sflag:s16] =	ssyncset.done $0x0  }
0xa7: {  	s19 =	simm.s32 $0x0;
	[sflag:s16] =	ssyncadd.s32 $0xFFFFE000  }
.LBB2_12:
0xa8: {  	s20 =	sshra.s32 s19, $0x2  }
0xa9: {  	v6 =	vld [tilespmem:s20+$0x2000];
	_ =	sdelay $0x4  }
0xaa: {  	v6 =	vsub.f32 v6, v4;
	_ =	sdelay $0x1  }
0xab: {  	v6 =	vmul.f32 v6, v5;
	_ =	sdelay $0x1  }
0xac: {  	v6 =	vtrunc.f32 v6  }
0xad: {  	v6 =	vcvt.f32.s32 v6;
	_ =	sdelay $0x1  }
0xae: {  	vm1 =	vlt.s32 v6, $0x7FF  }
0xaf: {  	v6 =	vnsel vm1, $0x7FF, v6  }
0xb0: {  	v6 =	vadd.s32 v0, v6;
	_ =	sdelay $0x4  }
0xb1: {  	[tilespmem:v6+s15+$0x0] =	vst.idx.add.f32.msk $0xffff, v2  }
0xb2: {  	v6 =	vld [tilespmem:s20+$0x2010];
	_ =	sdelay $0x4  }
0xb3: {  	v6 =	vsub.f32 v6, v4;
	_ =	sdelay $0x1  }
0xb4: {  	v6 =	vmul.f32 v6, v5;
	_ =	sdelay $0x1  }
0xb5: {  	v6 =	vtrunc.f32 v6  }
0xb6: {  	v6 =	vcvt.f32.s32 v6;
	_ =	sdelay $0x1  }
0xb7: {  	vm1 =	vlt.s32 v6, $0x7FF  }
0xb8: {  	v6 =	vnsel vm1, $0x7FF, v6  }
0xb9: {  	v6 =	vadd.s32 v0, v6;
	_ =	sdelay $0x4  }
0xba: {  	[tilespmem:v6+s15+$0x0] =	vst.idx.add.f32.msk $0xffff, v2  }
0xbb: {  	v6 =	vld [tilespmem:s20+$0x2020];
	_ =	sdelay $0x4  }
0xbc: {  	v6 =	vsub.f32 v6, v4;
	_ =	sdelay $0x1  }
0xbd: {  	v6 =	vmul.f32 v6, v5;
	_ =	sdelay $0x1  }
0xbe: {  	v6 =	vtrunc.f32 v6  }
0xbf: {  	v6 =	vcvt.f32.s32 v6;
	_ =	sdelay $0x1  }
0xc0: {  	vm1 =	vlt.s32 v6, $0x7FF  }
0xc1: {  	v6 =	vnsel vm1, $0x7FF, v6  }
0xc2: {  	v6 =	vadd.s32 v0, v6;
	_ =	sdelay $0x4  }
0xc3: {  	[tilespmem:v6+s15+$0x0] =	vst.idx.add.f32.msk $0xffff, v2  }
0xc4: {  	v6 =	vld [tilespmem:s20+$0x2030];
	_ =	sdelay $0x4  }
0xc5: {  	v6 =	vsub.f32 v6, v4;
	_ =	sdelay $0x1  }
0xc6: {  	v6 =	vmul.f32 v6, v5;
	_ =	sdelay $0x1  }
0xc7: {  	v6 =	vtrunc.f32 v6  }
0xc8: {  	v6 =	vcvt.f32.s32 v6;
	_ =	sdelay $0x1  }
0xc9: {  	vm1 =	vlt.s32 v6, $0x7FF  }
0xca: {  	v6 =	vnsel vm1, $0x7FF, v6  }
0xcb: {  	p0 =	sne.s32 s19, $0x7F00;
	v6 =	vadd.s32 v0, v6  }
.Ltmp5:
0xcc: {  	_ = 	snop;
	(pc) =	sbr.rel @p0 .LBB2_12-.Ltmp5, $2  }
0xcd: {  	_ =	sdelay $0x2  }
0xce: {  	s19 =	sadd.s32 $0x100, s19;
	[tilespmem:v6+s15+$0x0] =	vst.idx.add.f32.msk $0xffff, v2  }
0xcf: {  	s19 =	simm.s32 $0x0  }
0xd0: {  	v11 =	vld [tilespmem:s19+$0x4891]  }
0xd1: {  	v15 =	vld [tilespmem:s19+$0x58B3]  }
0xd2: {  	v9 =	vld [tilespmem:s19+$0x68D5]  }
0xd3: {  	v8 =	vld [tilespmem:s19+$0x78F7]  }
0xd4: {  	v7 =	vld [tilespmem:s19+$0x8919]  }
0xd5: {  	v6 =	vld [tilespmem:s19+$0x993B]  }
0xd6: {  	v5 =	vld [tilespmem:s19+$0xA95D]  }
0xd7: {  	v4 =	vld [tilespmem:s19+$0xB97F]  }
0xd8: {  	v16 =	vld [tilespmem:s19+$0x4080]  }
0xd9: {  	v17 =	vld [tilespmem:s19+$0x50A2]  }
0xda: {  	v14 =	vld [tilespmem:s19+$0x60C4]  }
0xdb: {  	v13 =	vld [tilespmem:s19+$0x70E6]  }
0xdc: {  	v12 =	vld [tilespmem:s19+$0x8108]  }
0xdd: {  	v10 =	vld [tilespmem:s19+$0x912A];
	v16 =	vadd.f32 v11, v16  }
0xde: {  	s20 =	simm.s32 $0x40;
	v15 =	vadd.f32 v15, v17;
	v11 =	vld [tilespmem:s19+$0xA14C]  }
.LBB2_14:
0xdf: {  	s21 =	sshra.s32 s20, $0x2;
	p0 =	sne.s32 s20, $0x1FC0;
	[tilespmem:s19+$0x4080] =	vst v16;
	v9 =	vadd.f32 v9, v14;
	v14 =	vld [tilespmem:s19+$0xB16E]  }
0xe0: {  	v16 =	vld [tilespmem:s21+$0x4891];
	[tilespmem:s19+$0x50A2] =	vst v15;
	v8 =	vadd.f32 v8, v13  }
0xe1: {  	v15 =	vld [tilespmem:s21+$0x58B3];
	[tilespmem:s19+$0x60C4] =	vst v9;
	v7 =	vadd.f32 v7, v12  }
0xe2: {  	v9 =	vld [tilespmem:s21+$0x68D5];
	[tilespmem:s19+$0x70E6] =	vst v8;
	v6 =	vadd.f32 v6, v10  }
0xe3: {  	v8 =	vld [tilespmem:s21+$0x78F7];
	[tilespmem:s19+$0x8108] =	vst v7;
	v5 =	vadd.f32 v5, v11  }
0xe4: {  	v7 =	vld [tilespmem:s21+$0x8919];
	[tilespmem:s19+$0x912A] =	vst v6;
	v4 =	vadd.f32 v4, v14  }
0xe5: {  	v6 =	vld [tilespmem:s21+$0x993B];
	[tilespmem:s19+$0xA14C] =	vst v5  }
0xe6: {  	v5 =	vld [tilespmem:s21+$0xA95D];
	[tilespmem:s19+$0xB16E] =	vst v4;
	s19 =	smov.u32 s21  }
0xe7: {  	v4 =	vld [tilespmem:s19+$0xB97F]  }
0xe8: {  	v10 =	vld [tilespmem:s19+$0x4080]  }
0xe9: {  	v11 =	vld [tilespmem:s19+$0x50A2]  }
.Ltmp6:
0xea: {  	v14 =	vld [tilespmem:s19+$0x60C4];
	(pc) =	sbr.rel @p0 .LBB2_14-.Ltmp6, $4  }
0xeb: {  	v13 =	vld [tilespmem:s19+$0x70E6]  }
0xec: {  	v12 =	vld [tilespmem:s19+$0x8108]  }
0xed: {  	v16 =	vadd.f32 v16, v10;
	v10 =	vld [tilespmem:s19+$0x912A]  }
0xee: {  	s20 =	sadd.s32 $0x40, s20;
	v15 =	vadd.f32 v15, v11;
	v11 =	vld [tilespmem:s19+$0xA14C]  }
0xef: {  	[tilespmem:s19+$0x4080] =	vst v16;
	v9 =	vadd.f32 v9, v14;
	v63 =	vld [tilespmem:s19+$0xB16E]  }
0xf0: {  	[tilespmem:s19+$0x50A2] =	vst v15;
	v8 =	vadd.f32 v8, v13  }
0xf1: {  	[tilespmem:s19+$0x60C4] =	vst v9;
	v7 =	vadd.f32 v7, v12  }
0xf2: {  	[tilespmem:s19+$0x70E6] =	vst v8;
	v6 =	vadd.f32 v6, v10  }
0xf3: {  	[tilespmem:s19+$0x8108] =	vst v7;
	v5 =	vadd.f32 v5, v11  }
0xf4: {  	[tilespmem:s19+$0x912A] =	vst v6;
	v4 =	vadd.f32 v4, v63  }
0xf5: {  	[tilespmem:s19+$0xA14C] =	vst v5  }
0xf6: {  	[tilespmem:s19+$0xB16E] =	vst v4;
	s19 =	simm.s32 $0x0  }
0xf7: {  	v9 =	vld [tilespmem:s19+$0x50A2]  }
0xf8: {  	v10 =	vld [tilespmem:s19+$0x70E6]  }
0xf9: {  	v5 =	vld [tilespmem:s19+$0x912A]  }
0xfa: {  	v4 =	vld [tilespmem:s19+$0xB16E]  }
0xfb: {  	v6 =	vld [tilespmem:s19+$0x4080]  }
0xfc: {  	v8 =	vld [tilespmem:s19+$0x60C4]  }
0xfd: {  	s21 =	simm.s32 $0x40;
	s20 =	simm.s32 $0x0;
	v7 =	vld [tilespmem:s19+$0x8108]  }
.LBB2_16:
0xfe: {  	s22 =	sshra.s32 s21, $0x2;
	p0 =	sne.s32 s21, $0x1FC0;
	v11 =	vld [tilespmem:s20+$0xA14C];
	v12 =	vmov v5  }
0xff: {  	v13 =	vld [tilespmem:s22+$0x50A2];
	v14 =	vmov v4  }
0x100: {  	v15 =	vld [tilespmem:s22+$0x70E6];
	v6 =	vadd.f32 v9, v6  }
.Ltmp7:
0x101: {  	v5 =	vld [tilespmem:s22+$0x912A];
	v8 =	vadd.f32 v10, v8;
	(pc) =	sbr.rel @p0 .LBB2_16-.Ltmp7, $4  }
0x102: {  	v4 =	vld [tilespmem:s22+$0xB16E];
	[tilespmem:s20+$0x4080] =	vst v6;
	v7 =	vadd.f32 v12, v7  }
0x103: {  	v6 =	vld [tilespmem:s22+$0x4080];
	[tilespmem:s20+$0x60C4] =	vst v8;
	v11 =	vadd.f32 v14, v11  }
0x104: {  	v8 =	vld [tilespmem:s22+$0x60C4];
	[tilespmem:s20+$0x8108] =	vst v7;
	v9 =	vmov v13  }
0x105: {  	s21 =	sadd.s32 $0x40, s21;
	v7 =	vld [tilespmem:s22+$0x8108];
	[tilespmem:s20+$0xA14C] =	vst v11;
	v10 =	vmov v15;
	s20 =	smov.u32 s22  }
0x106: {  	v11 =	vld [tilespmem:s20+$0xA14C];
	_ =	sdelay $0x1  }
0x107: {  	v6 =	vadd.f32 v9, v6  }
0x108: {  	v8 =	vadd.f32 v10, v8  }
0x109: {  	[tilespmem:s20+$0x4080] =	vst v6;
	v5 =	vadd.f32 v5, v7  }
0x10a: {  	[tilespmem:s20+$0x60C4] =	vst v8;
	v4 =	vadd.f32 v4, v11  }
0x10b: {  	[tilespmem:s20+$0x8108] =	vst v5  }
0x10c: {  	[tilespmem:s20+$0xA14C] =	vst v4  }
0x10d: {  	v4 =	vld [tilespmem:s19+$0x60C4]  }
0x10e: {  	v5 =	vld [tilespmem:s19+$0xA14C]  }
0x10f: {  	s20 =	simm.s32 $0x40;
	v6 =	vld [tilespmem:s19+$0x4080]  }
.LBB2_18:
0x110: {  	p0 =	sne.s32 s20, $0x1FC0;
	v7 =	vld [tilespmem:s19+$0x8108];
	_ =	sdelay $0x2  }
.Ltmp8:
0x111: {  	(pc) =	sbr.rel @p0 .LBB2_18-.Ltmp8, $4  }
0x112: {  	s21 =	sshra.s32 s20, $0x2;
	v6 =	vadd.f32 v4, v6  }
0x113: {  	v4 =	vld [tilespmem:s21+$0x60C4];
	v7 =	vadd.f32 v5, v7  }
0x114: {  	v5 =	vld [tilespmem:s21+$0xA14C];
	[tilespmem:s19+$0x4080] =	vst v6  }
0x115: {  	s20 =	sadd.s32 $0x40, s20;
	v6 =	vld [tilespmem:s21+$0x4080];
	[tilespmem:s19+$0x8108] =	vst v7;
	s19 =	smov.u32 s21  }
0x116: {  	v7 =	vld [tilespmem:s19+$0x8108];
	_ =	sdelay $0x3  }
0x117: {  	v4 =	vadd.f32 v4, v6  }
0x118: {  	v5 =	vadd.f32 v5, v7  }
0x119: {  	[tilespmem:s19+$0x4080] =	vst v4  }
0x11a: {  	[tilespmem:s19+$0x8108] =	vst v5;
	s19 =	simm.s32 $0x0  }
0x11b: {  	s20 =	simm.s32 $0x40;
	v4 =	vld [tilespmem:s19+$0x8108]  }
.LBB2_20:
0x11c: {  	p0 =	sne.s32 s20, $0x1FC0;
	v5 =	vld [tilespmem:s19+$0x4080];
	_ =	sdelay $0x2  }
.Ltmp9:
0x11d: {  	(pc) =	sbr.rel @p0 .LBB2_20-.Ltmp9, $4  }
0x11e: {  	_ = 	snop  }
0x11f: {  	v5 =	vadd.f32 v4, v5  }
0x120: {  	s21 =	sshra.s32 s20, $0x2  }
0x121: {  	s20 =	sadd.s32 $0x40, s20;
	v4 =	vld [tilespmem:s21+$0x8108];
	[tilespmem:s19+$0x4080] =	vst v5;
	s19 =	smov.u32 s21  }
0x122: {  	v5 =	vld [tilespmem:s19+$0x4080];
	_ =	sdelay $0x4  }
0x123: {  	v4 =	vadd.f32 v4, v5;
	_ =	sdelay $0x1  }
0x124: {  	[tilespmem:s19+$0x4080] =	vst v4  }
0x125: {  	v4 =	vld.idx.msk [tilespmem:v3+s15+$0x0], $0xffff;
	_ =	sdelay $0x4  }
0x126: {  	(xrf2) =	vadd.scan.msk.f32 $0xffff, v4;
	_ =	sdelay $0x6  }
0x127: {  	v4 =	vld [tilespmem:$0x4870];
	_ =	sdelay $0x2  }
0x128: {  	v5, _, _ =	vpop (xrf2)  }
0x129: {  	v5 =	vsel vm0, $0x0, v5  }
0x12a: {  	v4 =	vadd.f32 v5, v4;
	_ =	sdelay $0x1  }
0x12b: {  	s19 =	simm.s32 $0x0;
	[tilespmem:$0x4870] =	vst v4  }
0x12c: {  	s20 =	simm.s32 $0x40;
	v4 =	vld [tilespmem:s19+$0x4080]  }
.LBB2_22:
0x12d: {  	p0 =	sne.s32 s20, $0x1FC0  }
.Ltmp10:
0x12e: {  	_ = 	snop;
	(pc) =	sbr.rel @p0 .LBB2_22-.Ltmp10, $3  }
0x12f: {  	_ =	sdelay $0x1  }
0x130: {  	[tilespmem:s19+$0xC200] =	vst v4;
	s19 =	sshra.s32 s20, $0x2;
	s20 =	sadd.s32 $0x40, s20  }
0x131: {  	v4 =	vld [tilespmem:s19+$0x4080]  }
0x132: {  	_ =	sdelay $0x1  }
0x133: {  	s18 =	sadd.s32 $0x1, s18  }
0x134: {  	p0 =	sne.s32 s18, s10  }
.Ltmp11:
0x135: {  	[tilespmem:s19+$0xC200] =	vst v4;
	(pc) =	sbr.rel @p0 .LBB2_1-.Ltmp11, $4  }
0x136: {  	[hbm4b:s9+s3] =	stream.linear.scatter [tilespmem:s17], [sflag:$0x3], $0x800, $0x38;
	[tilespmem:$0xCA00] =	vst v63  }
0x137: {  	_ =	swait.ge [sflag:s12], $0x800  }
0x138: {  	[sflag:s12] =	ssyncset.done $0x0  }
0x139: {  	[sflag:s12] =	ssyncadd.s32 $0xFFFFF800  }
0x13a: {  	_ =	sfence.sel $0x180000  }
0x13b: {  	[bflag:$0x0] =	sbarrier.arrive $0xFFFF  }
0x13c: {  	p0 =	sne.s32 s2, $0x0;
	_ =	strace $0x90000047  }
0x13d: {  	s0 =	sadd.s32 @!p0 $0x100000, s0;
	[bflag:$0x2] =	sbarrier.arrive $0xFFFF  }
0x13e: {  	[sflag:s0] =	ssyncadd.tile.s32 @!p0 $0x1;
	_ =	shalt  }
.Lfunc_end2:
_tile_overlayer_lowered:
.L_overlay_start_2:
0x13f: {  	(tag) =	ssettag $0x2  }
0x140: {  	s0 =	rddreg [dreg:$0x0];
	s2 =	stileid.u32  }
0x141: {  	s1 =	rddreg [dreg:$0x1];
	p0 =	sne.s32 s2, $0x0  }
0x142: {  	s3 =	rddreg [dreg:$0x2];
	[bflag:$0x3] =	sbarrier.arrive $0xFFFF;
	s2 =	simm.s32 @!p0 $0x1C03  }
0x143: {  	[timem:s3], [sflag:s2] =	dma.local @!p0 [hbm:s0], s1  }
0x144: {  	s0 =	simm.s32 @!p0 $0x3  }
0x145: {  	_ =	swait.ge @!p0 [sflag:s0], s1  }
0x146: {  	s1 =	ssub.s32 @!p0 $0x0, s1;
	[sflag:s0] =	ssyncset.done @!p0 $0x0  }
0x147: {  	[sflag:s0] =	ssyncadd.s32 @!p0 s1  }
0x148: {  	[bflag:$0x3] =	sbarrier.arrive $0xFFFF  }
0x149: {  	_ =	shalt  }

// kernel: sparse-core-data-format-call.cloned.1.call-start
scs
called_computation_lowered:
.L_overlay_start_0:
0x0: {  	s2 =	sld [smem:$0x3FD9]  }
0x1: {  	s3 =	sld [smem:$0x3FFE];
	_ =	sdelay $0x1  }
0x2: {  	s1 =	srdreg.scid  }
0x3: {  	s0 =	sand.u32 $0x1, s1  }
0x4: {  	s16 =	sshll.u32 s0, $0xA;
	s2 =	sadd.s32 s3, s2  }
0x5: {  	s2 =	sadd.s32 s2, s16  }
0x6: {  	[smem:$0x3FC7] =	sst s2  }
0x7: {  	_ = 	snop  }
0x8: {  	s2 =	sld [smem:$0x3FD0];
	_ =	sdelay $0x2  }
0x9: {  	s17 =	simm.s32 $0xB;
	s4 =	simm.s32 $0x10  }
0xa: {  	[smem:s4], [sflag:s17] =	dma.local [hbm:s2], $0x1  }
0xb: {  	_ =	swait.eq [sflag:s17], $0x1  }
0xc: {  	[sflag:s17] =	ssyncset.done $0x0  }
0xd: {  	[sflag:s17] =	ssyncadd.s32 $0xFFFFFFFF  }
0xe: {  	s18 =	sld [smem:$0x10];
	(tm) =	ssettm $0x1  }
0xf: {  	s19 =	sld [smem:$0x3FFB];
	_ =	sdelay $0x3  }
0x10: {  	_ =	strace s19  }
0x11: {  	s2 =	sld [smem:$0x3FFC];
	_ =	sdelay $0x3  }
0x12: {  	_ =	strace s2  }
0x13: {  	s2 =	sld [smem:$0x3FFD];
	_ =	sdelay $0x3  }
0x14: {  	_ =	strace s2  }
0x15: {  	_ =	strace $0x8FFFFFFF  }
0x16: {  	s20 =	sld [smem:$0x3FDB];
	_ =	sdelay $0x1  }
0x17: {  	s21 =	simm.s32 $_scs_section_size  }
0x18: {  	s5 =	simm.s32 $_size__tile_overlayer_lowered;
	s6 =	simm.s32 $_tile_overlayer_lowered  }
0x19: {  	s7 =	simm.s32 $0x1BFF;
	s22 =	sshll.u32 s6, $0x1;
	s4 =	sadd.s32 s21, s20  }
0x1a: {  	s23 =	simm.s32 $0x0;
	s5 =	sshll.u32 s5, $0x1;
	s6 =	sadd.s32 s22, s4  }
0x1b: {  	[timem:s23], [sflag:s7] =	dma.local [hbm:s6], s5  }
0x1c: {  	_ =	swait.ge [sflag:s7], s5  }
0x1d: {  	s5 =	ssub.s32 $0x0, s5;
	[sflag:s7] =	ssyncset.done $0x0  }
0x1e: {  	[sflag:s7] =	ssyncadd.s32 s5;
	_ =	sdelay $0x1  }
0x1f: {  	s24 =	simm.s32 $0x1B8B  }
0x20: {  	_ =	swait.ge [sflag:s24], $0x1  }
0x21: {  	[sflag:s24] =	ssyncset.done $0x0  }
0x22: {  	[sflag:s24] =	ssyncadd.s32 $0xFFFFFFFF  }
0x23: {  	s5 =	sld [smem:$0x0]  }
0x24: {  	s6 =	sand.u32 $0xFFFFFFFE, s1  }
0x25: {  	p0 =	sne.s32 s1, s6  }
0x26: {  	s6 =	sshll.u32 @p0 s6, $0xE  }
0x27: {  	s6 =	sadd.s32 @p0 $0x11B8D, s6;
	s7 =	sshll.u32 @p0 s5, $0x11  }
0x28: {  	s6 =	sor.u32 @p0 s7, s6  }
0x29: {  	[sflag:s6] =	ssyncadd.remote.s32 @p0 $0x1;
	_ =	sdelay $0x1  }
0x2a: {  	s6 =	simm.s32 @p0 $0x1B8D  }
0x2b: {  	_ =	swait.eq @p0 [sflag:s6], $0x1  }
0x2c: {  	[sflag:s6] =	ssyncadd.s32 @p0 $0xFFFFFFFF  }
0x2d: {  	s7 =	sshll.u32 @!p0 s1, $0xE  }
0x2e: {  	s7 =	sor.u32 @!p0 $0x4000, s7;
	s6 =	simm.s32 @!p0 $0x1B8D  }
0x2f: {  	s5 =	sshll.u32 @!p0 s5, $0x11;
	s7 =	sadd.s32 @!p0 $0x11B8D, s7;
	_ =	swait.eq @!p0 [sflag:s6], $0x1  }
0x30: {  	s5 =	sor.u32 @!p0 s5, s7;
	[sflag:s6] =	ssyncadd.s32 @!p0 $0xFFFFFFFF  }
0x31: {  	s26 =	simm.s32 $0x1B8E;
	s25 =	sld [smem:$0x3FFE];
	[sflag:s5] =	ssyncadd.remote.s32 @!p0 $0x1  }
0x32: {  	s27 =	simm.s32 $execute0_lowered;
	[smem:$0x3FD2] =	sst s26  }
0x33: {  	s6 =	sshll.u32 s27, $0x1;
	_ =	strace $0x80000049;
	[dreg:$0x1] =	wrdreg $0xFFFFFFFF  }
0x34: {  	s28 =	simm.s32 $_size_execute0_lowered;
	s4 =	sadd.s32 s4, s6;
	[dreg:$0x0] =	wrdreg $0x0  }
0x35: {  	s6 =	sshll.u32 s28, $0x1;
	[dreg:$0x2] =	wrdreg s4  }
0x36: {  	[dreg:$0x3] =	wrdreg s6  }
0x37: {  	[dreg:$0x4] =	wrdreg $0xC0  }
0x38: {  	_ =	task [dreg:s23], $0x5FFFF  }
0x39: {  	[dreg:$0x1] =	wrdreg $0xFFFFFFFF  }
0x3a: {  	[dreg:$0x0] =	wrdreg $0x60  }
0x3b: {  	[dreg:$0x2] =	wrdreg s25  }
0x3c: {  	[dreg:$0x3] =	wrdreg s18  }
0x3d: {  	[dreg:$0x4] =	wrdreg $0x9  }
0x3e: {  	_ =	task.clear_ibuf [dreg:s23], $0x5FFFF;
	_ =	strace $0x90000049  }
0x3f: {  	s29 =	simm.s32 $0x9;
	_ =	strace $0x8000004B  }
0x40: {  	_ =	swait.ge [sflag:s29], $0x1  }
0x41: {  	[sflag:s29] =	ssyncadd.s32 $0xFFFFFFFF  }
0x42: {  	_ =	strace $0x9000004B  }
0x43: {  	_ =	sfence  }
0x44: {  	s30 =	sld [smem:$0x0];
	_ =	sdelay $0x2  }
0x45: {  	s31 =	sshll.u32 s1, $0xD;
	s1 =	sshrl.u32 s1, $0x2  }
0x46: {  	s4 =	sand.u32 $0x4000, s31;
	s1 =	sadd.s32 s1, s30  }
0x47: {  	s0 =	sor.u32 s4, s0;
	s1 =	sshll.u32 s1, $0x11  }
0x48: {  	s0 =	sor.u32 s1, s0  }
0x49: {  	s0 =	sadd.s32 $0x8F2B, s0  }
0x4a: {  	[sflag:s0] =	ssyncadd.remote.s32 $0x1  }
0x4b: {  	_ =	sfence.sel $0xFFFF  }
0x4c: {  	[dreg:$0x0] =	wrdreg $0xFFFFFFFF;
	(pc) =	sbr.abs _section_cstart, $3  }
0x4d: {  	[dreg:$0x1] =	wrdreg $0xFFFFFFFF  }
0x4e: {  	_ =	task.clear_ibuf [dreg:s23], $0x2FFFF;
	_ =	strace $0x9FFFFFFF  }
0x4f: {  	(tm) =	ssettm $0x7FFFFFFF  }
tec
execute0_lowered:
.L_overlay_start_1:
0x0: {  	(tag) =	ssettag $0x1  }
0x1: {  	s1 =	rddreg [dreg:$0x0]  }
0x2: {  	s2 =	rddreg [dreg:$0x1]  }
0x3: {  	s0 =	rddreg [dreg:$0x2];
	_ =	strace $0x8000004A;
	s4 =	srdreg.scid  }
0x4: {  	s6 =	simm.s32 $0x2;
	s11 =	simm.s32 $0x0;
	p0 =	por $0x0, $0x0  }
.Ltmp0:
0x5: {  	s7 =	simm.s32 $0x2000;
	s12 =	simm.s32 $0x0;
	(pc) =	sbr.rel .LBB1_1-.Ltmp0, $4  }
0x6: {  	s9 =	simm.s32 $0x0;
	s3 =	sadd.s32 $0x2C00, s1;
	s5 =	sshll.u32 s4, $0x4  }
0x7: {  	s1 =	stileid.u32;
	s4 =	simm.s32 $0x1;
	s5 =	sand.u32 $0x10, s5  }
0x8: {  	s8 =	simm.s32 $0x0;
	[sflag:s4] =	ssyncpa.u1 $0x0;
	s5 =	sor.u32 s1, s5  }
0x9: {  	[sflag:s6] =	ssyncpa.u1 $0x0;
	s6 =	simm.s32 $0x800;
	s10 =	smov.u32 s5  }
.LBB1_7:
0xa: {  	s13 =	sadd.s32 $0x10, s9  }
0xb: {  	s11 =	sadd.s32 $0x20, s10;
	s15 =	smov.u32 s10;
	p2 =	sgt.s32 s13, $0x3F  }
0xc: {  	p1 =	slt.u32 s8, $0x2;
	s15 =	smov.u32 @p2 s11  }
0xd: {  	s8 =	sadd.s32 $0x1, s8;
	s13 =	simm.s32 @p2 $0x0;
	p2 =	sgt.s32 s15, $0x1FF  }
0xe: {  	s15 =	smov.u32 @p2 s5;
	p2 =	sne.s32 s8, $0x42  }
.Ltmp1:
0xf: {  	_ = 	snop;
	(pc) =	sbr.rel @!p2 .LBB1_8-.Ltmp1, $4  }
0x10: {  	s14 =	simm.s32 @!p1 $0x2  }
0x11: {  	s12 =	smov.u32 s10;
	_ =	swait.ge @!p1 [sflag:s14], $0x4000  }
0x12: {  	p0 =	por !p0, !p0;
	s11 =	smov.u32 s9;
	[sflag:s14] =	ssyncset.done @!p1 $0x0  }
0x13: {  	s9 =	smov.u32 s13;
	[sflag:s14] =	ssyncadd.s32 @!p1 $0xFFFFC000;
	s10 =	smov.u32 s15  }
.LBB1_1:
0x14: {  	p1 =	sgt.u32 s8, $0x3F  }
0x15: {  	s13 =	sxor.u32 @!p1 $0xFFFFFFFF, s8;
	s14 =	sshll.u32 @!p1 s10, $0xD  }
0x16: {  	s15 =	sshll.u32 @!p1 s9, $0x7;
	s13 =	sshll.u32 @!p1 s13, $0xE;
	s14 =	sadd.s32 @!p1 s3, s14  }
0x17: {  	s13 =	sand.u32 @!p1 $0x4000, s13;
	s14 =	sadd.s32 @!p1 s15, s14;
	s15 =	simm.s32 @!p1 $0x0  }
0x18: {  	[tilespmem:s13], [sflag:$0x1] =	stream.linear.gather @!p1 [hbm4b:s14+s15], $0x4000, $0x38;
	[tilespmem:$0x10000] =	vst v63  }
0x19: {  	p1 =	seq.s32 s8, $0x0  }
0x1a: {  	p2 =	seq.s32 @!p1 s8, $0x41  }
0x1b: {  	p1 =	por p1, p2  }
.Ltmp2:
0x1c: {  	_ = 	snop;
	(pc) =	sbr.rel @p1 .LBB1_7-.Ltmp2, $1  }
0x1d: {  	_ =	sdelay $0x3  }
0x1e: {  	s13 =	simm.s32 $0x1;
	_ =	swait.ge [sflag:s4], $0x4000;
	s16 =	sshll.u32 s8, $0xE  }
0x1f: {  	s13 =	simm.s32 @!p0 $0x0;
	[sflag:s4] =	ssyncset.done $0x0;
	s31 =	sand.u32 $0x4000, s16  }
0x20: {  	s16 =	simm.s32 $0x0;
	s14 =	sshll.u32 s13, $0xE;
	[sflag:s4] =	ssyncadd.s32 $0xFFFFC000  }
0x21: {  	s13 =	sor.u32 $0x8040, s14;
	s15 =	sor.u32 $0x40, s14;
	s14 =	sor.u32 $0x8000, s31  }
.LBB1_3:
0x22: {  	v0 =	vmov s15;
	_ =	sdelay $0x3  }
0x23: {  	s18 =	simm.s32 $0x0  }
0x24: {  	v6 =	vld.idx.msk [tilespmem:v0+s18+$0x30 ss:$0x1], $0xffff  }
0x25: {  	v7 =	vld.idx.msk [tilespmem:v0+s18+$0xFFFFFFC0 ss:$0x1], $0xffff  }
0x26: {  	v5 =	vld.idx.msk [tilespmem:v0+s18+$0xFFFFFFD0 ss:$0x1], $0xffff  }
0x27: {  	v4 =	vld.idx.msk [tilespmem:v0+s18+$0xFFFFFFE0 ss:$0x1], $0xffff  }
0x28: {  	v3 =	vld.idx.msk [tilespmem:v0+s18+$0xFFFFFFF0 ss:$0x1], $0xffff  }
0x29: {  	v1 =	vld.idx.msk [tilespmem:v0+s18+$0x0 ss:$0x1], $0xffff  }
0x2a: {  	v2 =	vld.idx.msk [tilespmem:v0+s18+$0x10 ss:$0x1], $0xffff;
	[tilespmem:s13+$0x30] =	vst v6  }
0x2b: {  	s17 =	simm.s32 $0x80;
	s19 =	simm.s32 $0x400;
	[tilespmem:s13+$0xFFFFFFC0] =	vst v7;
	v6 =	vld.idx.msk [tilespmem:v0+s18+$0x20 ss:$0x1], $0xffff;
	s18 =	smov.u32 s13  }
.LBB1_4:
0x2c: {  	p1 =	sne.s32 s19, $0xE00;
	v7 =	vld.idx.msk [tilespmem:v0+s17+$0x30 ss:$0x1], $0xffff;
	[tilespmem:s18+$0xFFFFFFD0] =	vst v5  }
0x2d: {  	v8 =	vld.idx.msk [tilespmem:v0+s17+$0xFFFFFFC0 ss:$0x1], $0xffff;
	[tilespmem:s18+$0xFFFFFFE0] =	vst v4  }
0x2e: {  	v5 =	vld.idx.msk [tilespmem:v0+s17+$0xFFFFFFD0 ss:$0x1], $0xffff;
	[tilespmem:s18+$0xFFFFFFF0] =	vst v3  }
.Ltmp3:
0x2f: {  	v4 =	vld.idx.msk [tilespmem:v0+s17+$0xFFFFFFE0 ss:$0x1], $0xffff;
	[tilespmem:s18+$0x0] =	vst v1;
	(pc) =	sbr.rel @p1 .LBB1_4-.Ltmp3, $4  }
0x30: {  	v3 =	vld.idx.msk [tilespmem:v0+s17+$0xFFFFFFF0 ss:$0x1], $0xffff;
	[tilespmem:s18+$0x10] =	vst v2  }
0x31: {  	v1 =	vld.idx.msk [tilespmem:v0+s17+$0x0 ss:$0x1], $0xffff;
	[tilespmem:s18+$0x20] =	vst v6;
	s18 =	sadd.s32 $0x800, s18  }
0x32: {  	v2 =	vld.idx.msk [tilespmem:v0+s17+$0x10 ss:$0x1], $0xffff;
	[tilespmem:s18+$0x30] =	vst v7  }
0x33: {  	[tilespmem:s18+$0xFFFFFFC0] =	vst v8;
	v6 =	vld.idx.msk [tilespmem:v0+s17+$0x20 ss:$0x1], $0xffff;
	s17 =	sshra.s32 s19, $0x2;
	s19 =	sadd.s32 $0x200, s19  }
0x34: {  	_ =	sdelay $0x2  }
0x35: {  	[tilespmem:s18+$0xFFFFFFD0] =	vst v5  }
0x36: {  	v56 =	vld.idx.msk [tilespmem:v0+s17+$0x30 ss:$0x1], $0xffff;
	[tilespmem:s18+$0xFFFFFFE0] =	vst v4  }
0x37: {  	v57 =	vld.idx.msk [tilespmem:v0+s17+$0xFFFFFFC0 ss:$0x1], $0xffff;
	[tilespmem:s18+$0xFFFFFFF0] =	vst v3  }
0x38: {  	v58 =	vld.idx.msk [tilespmem:v0+s17+$0xFFFFFFD0 ss:$0x1], $0xffff;
	[tilespmem:s18+$0x0] =	vst v1  }
0x39: {  	v59 =	vld.idx.msk [tilespmem:v0+s17+$0xFFFFFFE0 ss:$0x1], $0xffff;
	[tilespmem:s18+$0x10] =	vst v2  }
0x3a: {  	v60 =	vld.idx.msk [tilespmem:v0+s17+$0xFFFFFFF0 ss:$0x1], $0xffff;
	s31 =	sadd.s32 $0x800, s18;
	[tilespmem:s18+$0x20] =	vst v6  }
0x3b: {  	v61 =	vld.idx.msk [tilespmem:v0+s17+$0x0 ss:$0x1], $0xffff;
	[tilespmem:s31+$0x30] =	vst v56  }
0x3c: {  	v62 =	vld.idx.msk [tilespmem:v0+s17+$0x10 ss:$0x1], $0xffff;
	s16 =	sadd.s32 $0x1, s16;
	[tilespmem:s31+$0xFFFFFFC0] =	vst v57  }
0x3d: {  	v63 =	vld.idx.msk [tilespmem:v0+s17+$0x20 ss:$0x1], $0xffff;
	p1 =	sne.s32 s16, $0x10;
	[tilespmem:s31+$0xFFFFFFD0] =	vst v58  }
.Ltmp4:
0x3e: {  	[tilespmem:s31+$0xFFFFFFE0] =	vst v59;
	(pc) =	sbr.rel @p1 .LBB1_3-.Ltmp4, $4  }
0x3f: {  	[tilespmem:s31+$0xFFFFFFF0] =	vst v60  }
0x40: {  	[tilespmem:s31+$0x0] =	vst v61  }
0x41: {  	[tilespmem:s31+$0x10] =	vst v62  }
0x42: {  	s13 =	sadd.s32 $0x80, s13;
	s15 =	sadd.s32 $0x400, s15;
	[tilespmem:s31+$0x20] =	vst v63  }
.Ltmp5:
0x43: {  	(pc) =	sbr.rel .LBB1_7-.Ltmp5, $4  }
0x44: {  	s12 =	sshll.u32 s12, $0xD;
	s11 =	sshll.u32 s11, $0x4  }
0x45: {  	s11 =	sand.u32 $0x3F0, s11;
	s12 =	sadd.s32 s2, s12  }
0x46: {  	s11 =	sadd.s32 s11, s12  }
0x47: {  	[hbm4b:s11+s6] =	stream.strided.scatter [tilespmem:s14], [sflag:$0x2], $0x4000, s7, s6, $0x38;
	[tilespmem:$0x10000] =	vst v63  }
.LBB1_8:
0x48: {  	_ =	sfence.sel $0x180000  }
0x49: {  	s2 =	simm.s32 $0x1;
	[bflag:$0x0] =	sbarrier.arrive $0xFFFF  }
0x4a: {  	s31 =	simm.s32 $0x2;
	[sflag:s2] =	ssyncpa.u1 $0x1  }
0x4b: {  	[sflag:s31] =	ssyncpa.u1 $0x1  }
0x4c: {  	p0 =	sne.s32 s1, $0x0;
	_ =	strace $0x9000004A  }
0x4d: {  	s0 =	sadd.s32 @!p0 $0x100000, s0;
	[bflag:$0x2] =	sbarrier.arrive $0xFFFF  }
0x4e: {  	[sflag:s0] =	ssyncadd.tile.s32 @!p0 $0x1;
	_ =	shalt  }
.Lfunc_end1:
_tile_overlayer_lowered:
.L_overlay_start_2:
0x4f: {  	(tag) =	ssettag $0x2  }
0x50: {  	s0 =	rddreg [dreg:$0x0];
	s2 =	stileid.u32  }
0x51: {  	s1 =	rddreg [dreg:$0x1];
	p0 =	sne.s32 s2, $0x0  }
0x52: {  	s3 =	rddreg [dreg:$0x2];
	[bflag:$0x3] =	sbarrier.arrive $0xFFFF;
	s2 =	simm.s32 @!p0 $0x1C01  }
0x53: {  	[timem:s3], [sflag:s2] =	dma.local @!p0 [hbm:s0], s1  }
0x54: {  	s0 =	simm.s32 @!p0 $0x1  }
0x55: {  	_ =	swait.ge @!p0 [sflag:s0], s1  }
0x56: {  	s1 =	ssub.s32 @!p0 $0x0, s1;
	[sflag:s0] =	ssyncset.done @!p0 $0x0  }
0x57: {  	[sflag:s0] =	ssyncadd.s32 @!p0 s1  }
0x58: {  	[bflag:$0x3] =	sbarrier.arrive $0xFFFF  }
0x59: {  	_ =	shalt  }

</sc_bundles>
